<compile_context>
chip_gen: v7x
topology: tpu7x:2x2x1
jax: 0.10.2.dev20260603
libtpu: 0.0.44.dev20260713+nightly
codegen_flags: <defaults>
</compile_context>

<pallas_src>
import functools

import jax
import jax.numpy as jnp
from jax import lax
from jax.experimental import pallas as pl
from jax.experimental.pallas import tpu as pltpu
from jax.experimental.pallas import tpu_sc as plsc

N_OUT = 100_000
NPAD = 102_400
PC = NPAD // 16
CH = 10_000


def _prep_body(coor_ref, edges_ref, w_ref, b_ref, v_ref, seg_ref):
    x = coor_ref[...]
    v = x[0] * w_ref[0, 0]
    for k in range(1, 6):
        v = v + x[k] * w_ref[0, k]
    v_ref[...] = v + b_ref[0]
    seg_ref[...] = edges_ref[1]


def _prep(coorT, edgesT, W1, b1, EH, BE, base_blk):
    grid = (EH // BE,)
    return pl.pallas_call(
        _prep_body,
        grid=grid,
        in_specs=[
            pl.BlockSpec((6, BE), lambda i: (0, i + base_blk)),
            pl.BlockSpec((2, BE), lambda i: (0, i + base_blk)),
            pl.BlockSpec(memory_space=pltpu.SMEM),
            pl.BlockSpec(memory_space=pltpu.SMEM),
        ],
        out_specs=[
            pl.BlockSpec((BE,), lambda i: (i,)),
            pl.BlockSpec((BE,), lambda i: (i,)),
        ],
        out_shape=[
            jax.ShapeDtypeStruct((EH,), jnp.float32),
            jax.ShapeDtypeStruct((EH,), jnp.int32),
        ],
    )(coorT, edgesT, W1, b1)


def _make_scatter(E):
    EW = E // 32
    NCH = EW // CH
    mesh = plsc.VectorSubcoreMesh(core_axis_name="c", subcore_axis_name="s")

    @functools.partial(
        pl.kernel,
        out_type=[
            jax.ShapeDtypeStruct((2, NPAD), jnp.float32),
            jax.ShapeDtypeStruct((2, NPAD), jnp.float32),
        ],
        mesh=mesh,
        scratch_types=[
            pltpu.VMEM((CH,), jnp.float32),
            pltpu.VMEM((CH,), jnp.int32),
            pltpu.VMEM((CH,), jnp.float32),
            pltpu.VMEM((CH,), jnp.int32),
            pltpu.VMEM((CH,), jnp.float32),
            pltpu.VMEM_SHARED((NPAD,), jnp.float32),
            pltpu.VMEM_SHARED((NPAD,), jnp.float32),
            pltpu.SemaphoreType.DMA,
            pltpu.SemaphoreType.DMA,
            pltpu.SemaphoreType.DMA,
            pltpu.SemaphoreType.DMA,
            pltpu.SemaphoreType.DMA,
            pltpu.SemaphoreType.DMA,
            pltpu.SemaphoreType.DMA,
            pltpu.SemaphoreType.DMA,
        ],
    )
    def scatter(v_h, seg_h, zeros_h, ones_h, sums_out, cnt_out,
                vv0, dv0, vv1, dv1, ones_v, sums_sh, cnt_sh,
                sv0, sd0, sv1, sd1, ss0, sc0, ss1, sc1):
        cid = lax.axis_index("c")
        sid = lax.axis_index("s")
        wid = cid * 16 + sid
        pltpu.sync_copy(zeros_h, sums_sh.at[pl.ds(sid * PC, PC)])
        pltpu.sync_copy(zeros_h, cnt_sh.at[pl.ds(sid * PC, PC)])
        pltpu.sync_copy(ones_h, ones_v)
        plsc.subcore_barrier()

        vv = (vv0, vv1)
        dv = (dv0, dv1)
        sv = (sv0, sv1)
        sd = (sd0, sd1)
        ss = (ss0, ss1)
        sc = (sc0, sc1)

        def start_in(k, b):
            off = pl.multiple_of(wid * EW + k * CH, 8)
            pltpu.async_copy(v_h.at[pl.ds(off, CH)], vv[b], sv[b])
            pltpu.async_copy(seg_h.at[pl.ds(off, CH)], dv[b], sd[b])

        def wait_in(b):
            pltpu.make_async_copy(v_h.at[pl.ds(0, CH)], vv[b], sv[b]).wait()
            pltpu.make_async_copy(seg_h.at[pl.ds(0, CH)], dv[b], sd[b]).wait()

        def start_scat(b):
            pltpu.async_copy(vv[b], sums_sh.at[dv[b]], ss[b], add=True)
            pltpu.async_copy(ones_v, cnt_sh.at[dv[b]], sc[b], add=True)

        def wait_scat(b):
            pltpu.make_async_copy(vv[b], sums_sh.at[dv[b]], ss[b]).wait()
            pltpu.make_async_copy(ones_v, cnt_sh.at[dv[b]], sc[b]).wait()

        start_in(0, 0)

        def body(m, carry):
            k0 = 2 * m
            wait_in(0)
            start_scat(0)
            start_in(k0 + 1, 1)
            wait_scat(0)
            wait_in(1)
            start_scat(1)

            @pl.when(m < NCH // 2 - 1)
            def _():
                start_in(k0 + 2, 0)

            wait_scat(1)
            return carry

        lax.fori_loop(0, NCH // 2, body, 0)
        plsc.subcore_barrier()
        pltpu.sync_copy(sums_sh.at[pl.ds(sid * PC, PC)],
                        sums_out.at[cid, pl.ds(sid * PC, PC)])
        pltpu.sync_copy(cnt_sh.at[pl.ds(sid * PC, PC)],
                        cnt_out.at[cid, pl.ds(sid * PC, PC)])

    return scatter


def _fin_body(s0_ref, c0_ref, s1_ref, c1_ref, o_ref):
    s = s0_ref[0] + s0_ref[1] + s1_ref[0] + s1_ref[1]
    c = c0_ref[0] + c0_ref[1] + c1_ref[0] + c1_ref[1]
    o_ref[...] = s / jnp.maximum(c, 1.0)


def _finalize(s0, c0, s1, c1, BN=10_240):
    grid = (NPAD // BN,)
    spec = pl.BlockSpec((2, BN), lambda i: (0, i))
    return pl.pallas_call(
        _fin_body,
        grid=grid,
        in_specs=[spec, spec, spec, spec],
        out_specs=pl.BlockSpec((BN,), lambda i: (i,)),
        out_shape=jax.ShapeDtypeStruct((NPAD,), jnp.float32),
    )(s0, c0, s1, c1)


def kernel(edges, coor, W1, b1, W2, b2, W4, b4):
    E = coor.shape[1]
    BE = 128_000
    EH = E // 2
    coorT = jnp.transpose(coor[0])
    edgesT = jnp.transpose(edges[0])
    zeros_h = jnp.zeros((PC,), jnp.float32)
    ones_h = jnp.ones((CH,), jnp.float32)
    scat = _make_scatter(EH)
    v0, seg0 = _prep(coorT, edgesT, W1, b1, EH, BE, 0)
    s0, c0 = scat(v0, seg0, zeros_h, ones_h)
    v1, seg1 = _prep(coorT, edgesT, W1, b1, EH, BE, EH // BE)
    s1, c1 = scat(v1, seg1, zeros_h, ones_h)
    mean_pad = _finalize(s0, c0, s1, c1)
    return mean_pad[:N_OUT][None, :, None]

# --- scband reference (transcript-rebuilt; emitter-appended) ---
"""Pipeline reference for scband-mess-net-63350767616429 (READ-ONLY COPY).

The authoritative reference and input builder live on the scoring server;
editing this copy changes nothing except your own understanding.
"""

import jax, jax.numpy as jnp
import numpy as np

N_NODES = 100000
E = 6400000

def setup_inputs(seed: int = 0) -> dict:
    key = jax.random.key(seed)
    ks = jax.random.split(key, 8)
    coor = jax.random.normal(ks[0], (1, E, 6), dtype=jnp.float32)
    edges = jax.random.randint(ks[1], (1, E, 2), 0, N_NODES, dtype=jnp.int32)
    # Learned parameters for fc1, fc2, fc4 (each Linear(6, 1))
    W1 = jax.random.normal(ks[2], (1, 6), dtype=jnp.float32) * 0.1
    b1 = jax.random.normal(ks[3], (1,), dtype=jnp.float32) * 0.1
    W2 = jax.random.normal(ks[4], (1, 6), dtype=jnp.float32) * 0.1
    b2 = jax.random.normal(ks[5], (1,), dtype=jnp.float32) * 0.1
    W4 = jax.random.normal(ks[6], (1, 6), dtype=jnp.float32) * 0.1
    b4 = jax.random.normal(ks[7], (1,), dtype=jnp.float32) * 0.1
    return {"edges": edges, "coor": coor, "W1": W1, "b1": b1, "W2": W2, "b2": b2, "W4": W4, "b4": b4}

def reference(edges, coor, W1, b1, W2, b2, W4, b4):
    # Vectorized form of the per-row python loop in the torch module.
    x = coor[0]                      # [E, 6]
    a = x @ W1.T + b1                # fc1 -> [E, 1]
    b = x @ W2.T + b2                # fc2 -> [E, 1] (computed but unused, as in torch)
    c = x @ W4.T + b4                # fc4 -> [E, 1] (computed but unused, as in torch)
    temp = jnp.stack([a, b, c])      # [3, E, 1]
    vals = temp[0]                   # torch keeps temp[0] == fc1 output -> [E, 1]
    seg = edges[0][:, -1]            # [E] destination node ids
    v = vals[:, 0]                   # [E]
    sums = jax.ops.segment_sum(v, seg, num_segments=N_NODES)
    counts = jax.ops.segment_sum(jnp.ones_like(v), seg, num_segments=N_NODES)
    mean = sums / jnp.maximum(counts, 1.0)   # scatter(..., reduce='mean'); empty segments -> 0
    out = mean[None, :, None]        # unsqueeze(out.t(), 0) -> [1, N, 1]
    return out

if __name__ == "__main__":
    import jax
    _d = setup_inputs()
    print(jax.jit(kernel)(*tuple(_d.values())))

</pallas_src>

<mosaic_0001>
#map = affine_map<(d0, d1) -> (0)>
#map1 = affine_map<(d0, d1) -> (0, 0)>
module attributes {stable_mosaic.version = 14 : i64} {
  func.func @scatter(%arg0: i32, %arg1: i32, %arg2: memref<3200000xf32, #tpu.memory_space<hbm>>, %arg3: memref<3200000xi32, #tpu.memory_space<hbm>>, %arg4: memref<6400xf32, #tpu.memory_space<hbm>>, %arg5: memref<10000xf32, #tpu.memory_space<hbm>>, %arg6: memref<2x102400xf32, #tpu.memory_space<hbm>>, %arg7: memref<2x102400xf32, #tpu.memory_space<hbm>>, %arg8: memref<10000xf32, #tpu.memory_space<vmem>>, %arg9: memref<10000xi32, #tpu.memory_space<vmem>>, %arg10: memref<10000xf32, #tpu.memory_space<vmem>>, %arg11: memref<10000xi32, #tpu.memory_space<vmem>>, %arg12: memref<10000xf32, #tpu.memory_space<vmem>>, %arg13: memref<102400xf32, #tpu.memory_space<vmem_shared>>, %arg14: memref<102400xf32, #tpu.memory_space<vmem_shared>>, %arg15: memref<!tpu.dma_semaphore, #tpu.memory_space<semaphore_mem>>, %arg16: memref<!tpu.dma_semaphore, #tpu.memory_space<semaphore_mem>>, %arg17: memref<!tpu.dma_semaphore, #tpu.memory_space<semaphore_mem>>, %arg18: memref<!tpu.dma_semaphore, #tpu.memory_space<semaphore_mem>>, %arg19: memref<!tpu.dma_semaphore, #tpu.memory_space<semaphore_mem>>, %arg20: memref<!tpu.dma_semaphore, #tpu.memory_space<semaphore_mem>>, %arg21: memref<!tpu.dma_semaphore, #tpu.memory_space<semaphore_mem>>, %arg22: memref<!tpu.dma_semaphore, #tpu.memory_space<semaphore_mem>>) attributes {dimension_semantics = [#tpu.dimension_semantics<core_parallel>, #tpu.dimension_semantics<subcore_parallel>], iteration_bounds = array<i64: 2, 16>, scalar_prefetch = 0 : i64, scratch_operands = 15 : i64, tpu.core_type = #tpu.core_type<sc_vector_subcore>, window_params = [{transform_indices = #map}, {transform_indices = #map}, {transform_indices = #map}, {transform_indices = #map}, {transform_indices = #map1}, {transform_indices = #map1}]} {
    %mul3A = arith.constant 16 : i32
    %mul3A_0 = arith.muli %arg0, %mul3A : i32
    %add3A = arith.addi %mul3A_0, %arg1 : i32
    %mul3A_1 = arith.constant 6400 : i32
    %mul3A_2 = arith.muli %arg1, %mul3A_1 : i32
    "tpu.region"() ({
      %run_scoped3A = tpu.sem_alloc : memref<!tpu.dma_semaphore, #tpu.memory_space<semaphore_mem>>
      %dma_start3A_26 = tpu.memref_slice %arg13[%mul3A_2] : memref<102400xf32, #tpu.memory_space<vmem_shared>> -> memref<6400xf32, #tpu.memory_space<vmem_shared>>
      tpu.enqueue_dma source(%arg4 : memref<6400xf32, #tpu.memory_space<hbm>>) target(%dma_start3A_26 : memref<6400xf32, #tpu.memory_space<vmem_shared>>) target_semaphore(%run_scoped3A : memref<!tpu.dma_semaphore, #tpu.memory_space<semaphore_mem>>)
      %dma_wait3A = tpu.memref_slice %arg13[%mul3A_2] : memref<102400xf32, #tpu.memory_space<vmem_shared>> -> memref<6400xf32, #tpu.memory_space<vmem_shared>>
      tpu.wait_dma2 semaphore(%run_scoped3A : memref<!tpu.dma_semaphore, #tpu.memory_space<semaphore_mem>>) src(%arg4 : memref<6400xf32, #tpu.memory_space<hbm>>) dst(%dma_wait3A : memref<6400xf32, #tpu.memory_space<vmem_shared>>)
      tpu.yield
    }) : () -> ()
    %mul3A_3 = arith.constant 6400 : i32
    %mul3A_4 = arith.muli %arg1, %mul3A_3 : i32
    "tpu.region"() ({
      %run_scoped3A = tpu.sem_alloc : memref<!tpu.dma_semaphore, #tpu.memory_space<semaphore_mem>>
      %dma_start3A_26 = tpu.memref_slice %arg14[%mul3A_4] : memref<102400xf32, #tpu.memory_space<vmem_shared>> -> memref<6400xf32, #tpu.memory_space<vmem_shared>>
      tpu.enqueue_dma source(%arg4 : memref<6400xf32, #tpu.memory_space<hbm>>) target(%dma_start3A_26 : memref<6400xf32, #tpu.memory_space<vmem_shared>>) target_semaphore(%run_scoped3A : memref<!tpu.dma_semaphore, #tpu.memory_space<semaphore_mem>>)
      %dma_wait3A = tpu.memref_slice %arg14[%mul3A_4] : memref<102400xf32, #tpu.memory_space<vmem_shared>> -> memref<6400xf32, #tpu.memory_space<vmem_shared>>
      tpu.wait_dma2 semaphore(%run_scoped3A : memref<!tpu.dma_semaphore, #tpu.memory_space<semaphore_mem>>) src(%arg4 : memref<6400xf32, #tpu.memory_space<hbm>>) dst(%dma_wait3A : memref<6400xf32, #tpu.memory_space<vmem_shared>>)
      tpu.yield
    }) : () -> ()
    "tpu.region"() ({
      %run_scoped3A = tpu.sem_alloc : memref<!tpu.dma_semaphore, #tpu.memory_space<semaphore_mem>>
      tpu.enqueue_dma source(%arg5 : memref<10000xf32, #tpu.memory_space<hbm>>) target(%arg12 : memref<10000xf32, #tpu.memory_space<vmem>>) target_semaphore(%run_scoped3A : memref<!tpu.dma_semaphore, #tpu.memory_space<semaphore_mem>>)
      tpu.wait_dma2 semaphore(%run_scoped3A : memref<!tpu.dma_semaphore, #tpu.memory_space<semaphore_mem>>) src(%arg5 : memref<10000xf32, #tpu.memory_space<hbm>>) dst(%arg12 : memref<10000xf32, #tpu.memory_space<vmem>>)
      tpu.yield
    }) : () -> ()
    %barrier3A = arith.constant 0 : index
    tpu.barrier barrier_id(%barrier3A)
    %mul3A_5 = arith.constant 100000 : i32
    %mul3A_6 = arith.muli %add3A, %mul3A_5 : i32
    %add3A_7 = arith.constant 0 : i32
    %add3A_8 = arith.addi %mul3A_6, %add3A_7 : i32
    %multiple_of3A = tpu.assume_multiple %add3A_8, 8 : i32
    %dma_start3A = tpu.memref_slice %arg2[%multiple_of3A] : memref<3200000xf32, #tpu.memory_space<hbm>> -> memref<10000xf32, #tpu.memory_space<hbm>>
    %dma_start3A_9 = tpu.memref_slice %arg2[%multiple_of3A] : memref<3200000xf32, #tpu.memory_space<hbm>> -> memref<10000xf32, #tpu.memory_space<hbm>>
    tpu.enqueue_dma source(%dma_start3A_9 : memref<10000xf32, #tpu.memory_space<hbm>>) target(%arg8 : memref<10000xf32, #tpu.memory_space<vmem>>) target_semaphore(%arg15 : memref<!tpu.dma_semaphore, #tpu.memory_space<semaphore_mem>>)
    %dma_start3A_10 = tpu.memref_slice %arg3[%multiple_of3A] : memref<3200000xi32, #tpu.memory_space<hbm>> -> memref<10000xi32, #tpu.memory_space<hbm>>
    %dma_start3A_11 = tpu.memref_slice %arg3[%multiple_of3A] : memref<3200000xi32, #tpu.memory_space<hbm>> -> memref<10000xi32, #tpu.memory_space<hbm>>
    tpu.enqueue_dma source(%dma_start3A_11 : memref<10000xi32, #tpu.memory_space<hbm>>) target(%arg9 : memref<10000xi32, #tpu.memory_space<vmem>>) target_semaphore(%arg16 : memref<!tpu.dma_semaphore, #tpu.memory_space<semaphore_mem>>)
    %scan3A = arith.constant 0 : i32
    %scan3A_12 = arith.constant 0 : i32
    %scan3A_13 = arith.constant 5 : i32
    %scan3A_14 = arith.addi %scan3A_12, %scan3A_13 : i32
    %scan3A_15 = arith.constant 1 : i32
    scf.for %scan3A_26 = %scan3A_12 to %scan3A_14 step %scan3A_15  : i32 {
      %mul3A_27 = arith.constant 2 : i32
      %mul3A_28 = arith.muli %mul3A_27, %scan3A_26 : i32
      %dma_wait3A = arith.constant 0 : i32
      %dma_wait3A_29 = tpu.memref_slice %arg2[%dma_wait3A] : memref<3200000xf32, #tpu.memory_space<hbm>> -> memref<10000xf32, #tpu.memory_space<hbm>>
      %dma_wait3A_30 = arith.constant 0 : i32
      %dma_wait3A_31 = tpu.memref_slice %arg2[%dma_wait3A_30] : memref<3200000xf32, #tpu.memory_space<hbm>> -> memref<10000xf32, #tpu.memory_space<hbm>>
      tpu.wait_dma2 semaphore(%arg15 : memref<!tpu.dma_semaphore, #tpu.memory_space<semaphore_mem>>) src(%dma_wait3A_31 : memref<10000xf32, #tpu.memory_space<hbm>>) dst(%arg8 : memref<10000xf32, #tpu.memory_space<vmem>>)
      %dma_wait3A_32 = arith.constant 0 : i32
      %dma_wait3A_33 = tpu.memref_slice %arg3[%dma_wait3A_32] : memref<3200000xi32, #tpu.memory_space<hbm>> -> memref<10000xi32, #tpu.memory_space<hbm>>
      %dma_wait3A_34 = arith.constant 0 : i32
      %dma_wait3A_35 = tpu.memref_slice %arg3[%dma_wait3A_34] : memref<3200000xi32, #tpu.memory_space<hbm>> -> memref<10000xi32, #tpu.memory_space<hbm>>
      tpu.wait_dma2 semaphore(%arg16 : memref<!tpu.dma_semaphore, #tpu.memory_space<semaphore_mem>>) src(%dma_wait3A_35 : memref<10000xi32, #tpu.memory_space<hbm>>) dst(%arg9 : memref<10000xi32, #tpu.memory_space<vmem>>)
      %dma_start3A_36 = arith.constant 0 : i32
      %dma_start3A_37 = tpu.memref_slice %arg13[%dma_start3A_36] : memref<102400xf32, #tpu.memory_space<vmem_shared>> -> memref<102400xf32, #tpu.memory_space<vmem_shared>>
      tpu.enqueue_indirect_dma source(%arg8 : memref<10000xf32, #tpu.memory_space<vmem>>) target(%dma_start3A_37 : memref<102400xf32, #tpu.memory_space<vmem_shared>>) offsets(%arg9 : memref<10000xi32, #tpu.memory_space<vmem>>) semaphore(%arg19 : memref<!tpu.dma_semaphore, #tpu.memory_space<semaphore_mem>>) {add = true}
      %dma_start3A_38 = arith.constant 0 : i32
      %dma_start3A_39 = tpu.memref_slice %arg14[%dma_start3A_38] : memref<102400xf32, #tpu.memory_space<vmem_shared>> -> memref<102400xf32, #tpu.memory_space<vmem_shared>>
      tpu.enqueue_indirect_dma source(%arg12 : memref<10000xf32, #tpu.memory_space<vmem>>) target(%dma_start3A_39 : memref<102400xf32, #tpu.memory_space<vmem_shared>>) offsets(%arg9 : memref<10000xi32, #tpu.memory_space<vmem>>) semaphore(%arg20 : memref<!tpu.dma_semaphore, #tpu.memory_space<semaphore_mem>>) {add = true}
      %add3A_40 = arith.constant 1 : i32
      %add3A_41 = arith.addi %mul3A_28, %add3A_40 : i32
      %mul3A_42 = arith.constant 100000 : i32
      %mul3A_43 = arith.muli %add3A, %mul3A_42 : i32
      %mul3A_44 = arith.constant 10000 : i32
      %mul3A_45 = arith.muli %add3A_41, %mul3A_44 : i32
      %add3A_46 = arith.addi %mul3A_43, %mul3A_45 : i32
      %multiple_of3A_47 = tpu.assume_multiple %add3A_46, 8 : i32
      %dma_start3A_48 = tpu.memref_slice %arg2[%multiple_of3A_47] : memref<3200000xf32, #tpu.memory_space<hbm>> -> memref<10000xf32, #tpu.memory_space<hbm>>
      %dma_start3A_49 = tpu.memref_slice %arg2[%multiple_of3A_47] : memref<3200000xf32, #tpu.memory_space<hbm>> -> memref<10000xf32, #tpu.memory_space<hbm>>
      tpu.enqueue_dma source(%dma_start3A_49 : memref<10000xf32, #tpu.memory_space<hbm>>) target(%arg10 : memref<10000xf32, #tpu.memory_space<vmem>>) target_semaphore(%arg17 : memref<!tpu.dma_semaphore, #tpu.memory_space<semaphore_mem>>)
      %dma_start3A_50 = tpu.memref_slice %arg3[%multiple_of3A_47] : memref<3200000xi32, #tpu.memory_space<hbm>> -> memref<10000xi32, #tpu.memory_space<hbm>>
      %dma_start3A_51 = tpu.memref_slice %arg3[%multiple_of3A_47] : memref<3200000xi32, #tpu.memory_space<hbm>> -> memref<10000xi32, #tpu.memory_space<hbm>>
      tpu.enqueue_dma source(%dma_start3A_51 : memref<10000xi32, #tpu.memory_space<hbm>>) target(%arg11 : memref<10000xi32, #tpu.memory_space<vmem>>) target_semaphore(%arg18 : memref<!tpu.dma_semaphore, #tpu.memory_space<semaphore_mem>>)
      %dma_wait3A_52 = arith.constant 0 : i32
      %dma_wait3A_53 = tpu.memref_slice %arg13[%dma_wait3A_52] : memref<102400xf32, #tpu.memory_space<vmem_shared>> -> memref<102400xf32, #tpu.memory_space<vmem_shared>>
      tpu.wait_indirect_dma semaphore(%arg19 : memref<!tpu.dma_semaphore, #tpu.memory_space<semaphore_mem>>) src(%arg8 : memref<10000xf32, #tpu.memory_space<vmem>>) dst(%dma_wait3A_53 : memref<102400xf32, #tpu.memory_space<vmem_shared>>)
      %dma_wait3A_54 = arith.constant 0 : i32
      %dma_wait3A_55 = tpu.memref_slice %arg14[%dma_wait3A_54] : memref<102400xf32, #tpu.memory_space<vmem_shared>> -> memref<102400xf32, #tpu.memory_space<vmem_shared>>
      tpu.wait_indirect_dma semaphore(%arg20 : memref<!tpu.dma_semaphore, #tpu.memory_space<semaphore_mem>>) src(%arg12 : memref<10000xf32, #tpu.memory_space<vmem>>) dst(%dma_wait3A_55 : memref<102400xf32, #tpu.memory_space<vmem_shared>>)
      %dma_wait3A_56 = arith.constant 0 : i32
      %dma_wait3A_57 = tpu.memref_slice %arg2[%dma_wait3A_56] : memref<3200000xf32, #tpu.memory_space<hbm>> -> memref<10000xf32, #tpu.memory_space<hbm>>
      %dma_wait3A_58 = arith.constant 0 : i32
      %dma_wait3A_59 = tpu.memref_slice %arg2[%dma_wait3A_58] : memref<3200000xf32, #tpu.memory_space<hbm>> -> memref<10000xf32, #tpu.memory_space<hbm>>
      tpu.wait_dma2 semaphore(%arg17 : memref<!tpu.dma_semaphore, #tpu.memory_space<semaphore_mem>>) src(%dma_wait3A_59 : memref<10000xf32, #tpu.memory_space<hbm>>) dst(%arg10 : memref<10000xf32, #tpu.memory_space<vmem>>)
      %dma_wait3A_60 = arith.constant 0 : i32
      %dma_wait3A_61 = tpu.memref_slice %arg3[%dma_wait3A_60] : memref<3200000xi32, #tpu.memory_space<hbm>> -> memref<10000xi32, #tpu.memory_space<hbm>>
      %dma_wait3A_62 = arith.constant 0 : i32
      %dma_wait3A_63 = tpu.memref_slice %arg3[%dma_wait3A_62] : memref<3200000xi32, #tpu.memory_space<hbm>> -> memref<10000xi32, #tpu.memory_space<hbm>>
      tpu.wait_dma2 semaphore(%arg18 : memref<!tpu.dma_semaphore, #tpu.memory_space<semaphore_mem>>) src(%dma_wait3A_63 : memref<10000xi32, #tpu.memory_space<hbm>>) dst(%arg11 : memref<10000xi32, #tpu.memory_space<vmem>>)
      %dma_start3A_64 = arith.constant 0 : i32
      %dma_start3A_65 = tpu.memref_slice %arg13[%dma_start3A_64] : memref<102400xf32, #tpu.memory_space<vmem_shared>> -> memref<102400xf32, #tpu.memory_space<vmem_shared>>
      tpu.enqueue_indirect_dma source(%arg10 : memref<10000xf32, #tpu.memory_space<vmem>>) target(%dma_start3A_65 : memref<102400xf32, #tpu.memory_space<vmem_shared>>) offsets(%arg11 : memref<10000xi32, #tpu.memory_space<vmem>>) semaphore(%arg21 : memref<!tpu.dma_semaphore, #tpu.memory_space<semaphore_mem>>) {add = true}
      %dma_start3A_66 = arith.constant 0 : i32
      %dma_start3A_67 = tpu.memref_slice %arg14[%dma_start3A_66] : memref<102400xf32, #tpu.memory_space<vmem_shared>> -> memref<102400xf32, #tpu.memory_space<vmem_shared>>
      tpu.enqueue_indirect_dma source(%arg12 : memref<10000xf32, #tpu.memory_space<vmem>>) target(%dma_start3A_67 : memref<102400xf32, #tpu.memory_space<vmem_shared>>) offsets(%arg11 : memref<10000xi32, #tpu.memory_space<vmem>>) semaphore(%arg22 : memref<!tpu.dma_semaphore, #tpu.memory_space<semaphore_mem>>) {add = true}
      %lt3A = arith.constant 4 : i32
      %lt3A_68 = arith.cmpi slt, %scan3A_26, %lt3A : i32
      %convert_element_type3A = arith.extui %lt3A_68 : i1 to i32
      %cond3A = arith.constant 0 : i32
      %cond3A_69 = arith.cmpi ne, %convert_element_type3A, %cond3A : i32
      scf.if %cond3A_69 {
        %add3A_74 = arith.constant 2 : i32
        %add3A_75 = arith.addi %mul3A_28, %add3A_74 : i32
        %mul3A_76 = arith.constant 100000 : i32
        %mul3A_77 = arith.muli %add3A, %mul3A_76 : i32
        %mul3A_78 = arith.constant 10000 : i32
        %mul3A_79 = arith.muli %add3A_75, %mul3A_78 : i32
        %add3A_80 = arith.addi %mul3A_77, %mul3A_79 : i32
        %multiple_of3A_81 = tpu.assume_multiple %add3A_80, 8 : i32
        %dma_start3A_82 = tpu.memref_slice %arg2[%multiple_of3A_81] : memref<3200000xf32, #tpu.memory_space<hbm>> -> memref<10000xf32, #tpu.memory_space<hbm>>
        %dma_start3A_83 = tpu.memref_slice %arg2[%multiple_of3A_81] : memref<3200000xf32, #tpu.memory_space<hbm>> -> memref<10000xf32, #tpu.memory_space<hbm>>
        tpu.enqueue_dma source(%dma_start3A_83 : memref<10000xf32, #tpu.memory_space<hbm>>) target(%arg8 : memref<10000xf32, #tpu.memory_space<vmem>>) target_semaphore(%arg15 : memref<!tpu.dma_semaphore, #tpu.memory_space<semaphore_mem>>)
        %dma_start3A_84 = tpu.memref_slice %arg3[%multiple_of3A_81] : memref<3200000xi32, #tpu.memory_space<hbm>> -> memref<10000xi32, #tpu.memory_space<hbm>>
        %dma_start3A_85 = tpu.memref_slice %arg3[%multiple_of3A_81] : memref<3200000xi32, #tpu.memory_space<hbm>> -> memref<10000xi32, #tpu.memory_space<hbm>>
        tpu.enqueue_dma source(%dma_start3A_85 : memref<10000xi32, #tpu.memory_space<hbm>>) target(%arg9 : memref<10000xi32, #tpu.memory_space<vmem>>) target_semaphore(%arg16 : memref<!tpu.dma_semaphore, #tpu.memory_space<semaphore_mem>>)
      } else {
      }
      %dma_wait3A_70 = arith.constant 0 : i32
      %dma_wait3A_71 = tpu.memref_slice %arg13[%dma_wait3A_70] : memref<102400xf32, #tpu.memory_space<vmem_shared>> -> memref<102400xf32, #tpu.memory_space<vmem_shared>>
      tpu.wait_indirect_dma semaphore(%arg21 : memref<!tpu.dma_semaphore, #tpu.memory_space<semaphore_mem>>) src(%arg10 : memref<10000xf32, #tpu.memory_space<vmem>>) dst(%dma_wait3A_71 : memref<102400xf32, #tpu.memory_space<vmem_shared>>)
      %dma_wait3A_72 = arith.constant 0 : i32
      %dma_wait3A_73 = tpu.memref_slice %arg14[%dma_wait3A_72] : memref<102400xf32, #tpu.memory_space<vmem_shared>> -> memref<102400xf32, #tpu.memory_space<vmem_shared>>
      tpu.wait_indirect_dma semaphore(%arg22 : memref<!tpu.dma_semaphore, #tpu.memory_space<semaphore_mem>>) src(%arg12 : memref<10000xf32, #tpu.memory_space<vmem>>) dst(%dma_wait3A_73 : memref<102400xf32, #tpu.memory_space<vmem_shared>>)
    }
    %scan3A_16 = arith.constant 5 : i32
    %barrier3A_17 = arith.constant 0 : index
    tpu.barrier barrier_id(%barrier3A_17)
    %mul3A_18 = arith.constant 6400 : i32
    %mul3A_19 = arith.muli %arg1, %mul3A_18 : i32
    %mul3A_20 = arith.constant 6400 : i32
    %mul3A_21 = arith.muli %arg1, %mul3A_20 : i32
    "tpu.region"() ({
      %run_scoped3A = tpu.sem_alloc : memref<!tpu.dma_semaphore, #tpu.memory_space<semaphore_mem>>
      %dma_start3A_26 = tpu.memref_slice %arg6[%arg0, %mul3A_21] : memref<2x102400xf32, #tpu.memory_space<hbm>> -> memref<1x6400xf32, #tpu.memory_space<hbm>>
      %dma_start3A_27 = tpu.memref_squeeze %dma_start3A_26 : memref<1x6400xf32, #tpu.memory_space<hbm>> -> memref<6400xf32, #tpu.memory_space<hbm>>
      %dma_start3A_28 = tpu.memref_slice %arg13[%mul3A_19] : memref<102400xf32, #tpu.memory_space<vmem_shared>> -> memref<6400xf32, #tpu.memory_space<vmem_shared>>
      tpu.enqueue_dma source(%dma_start3A_28 : memref<6400xf32, #tpu.memory_space<vmem_shared>>) target(%dma_start3A_27 : memref<6400xf32, #tpu.memory_space<hbm>>) target_semaphore(%run_scoped3A : memref<!tpu.dma_semaphore, #tpu.memory_space<semaphore_mem>>)
      %dma_wait3A = tpu.memref_slice %arg6[%arg0, %mul3A_21] : memref<2x102400xf32, #tpu.memory_space<hbm>> -> memref<1x6400xf32, #tpu.memory_space<hbm>>
      %dma_wait3A_29 = tpu.memref_squeeze %dma_wait3A : memref<1x6400xf32, #tpu.memory_space<hbm>> -> memref<6400xf32, #tpu.memory_space<hbm>>
      %dma_wait3A_30 = tpu.memref_slice %arg13[%mul3A_19] : memref<102400xf32, #tpu.memory_space<vmem_shared>> -> memref<6400xf32, #tpu.memory_space<vmem_shared>>
      tpu.wait_dma2 semaphore(%run_scoped3A : memref<!tpu.dma_semaphore, #tpu.memory_space<semaphore_mem>>) src(%dma_wait3A_30 : memref<6400xf32, #tpu.memory_space<vmem_shared>>) dst(%dma_wait3A_29 : memref<6400xf32, #tpu.memory_space<hbm>>)
      tpu.yield
    }) : () -> ()
    %mul3A_22 = arith.constant 6400 : i32
    %mul3A_23 = arith.muli %arg1, %mul3A_22 : i32
    %mul3A_24 = arith.constant 6400 : i32
    %mul3A_25 = arith.muli %arg1, %mul3A_24 : i32
    "tpu.region"() ({
      %run_scoped3A = tpu.sem_alloc : memref<!tpu.dma_semaphore, #tpu.memory_space<semaphore_mem>>
      %dma_start3A_26 = tpu.memref_slice %arg7[%arg0, %mul3A_25] : memref<2x102400xf32, #tpu.memory_space<hbm>> -> memref<1x6400xf32, #tpu.memory_space<hbm>>
      %dma_start3A_27 = tpu.memref_squeeze %dma_start3A_26 : memref<1x6400xf32, #tpu.memory_space<hbm>> -> memref<6400xf32, #tpu.memory_space<hbm>>
      %dma_start3A_28 = tpu.memref_slice %arg14[%mul3A_23] : memref<102400xf32, #tpu.memory_space<vmem_shared>> -> memref<6400xf32, #tpu.memory_space<vmem_shared>>
      tpu.enqueue_dma source(%dma_start3A_28 : memref<6400xf32, #tpu.memory_space<vmem_shared>>) target(%dma_start3A_27 : memref<6400xf32, #tpu.memory_space<hbm>>) target_semaphore(%run_scoped3A : memref<!tpu.dma_semaphore, #tpu.memory_space<semaphore_mem>>)
      %dma_wait3A = tpu.memref_slice %arg7[%arg0, %mul3A_25] : memref<2x102400xf32, #tpu.memory_space<hbm>> -> memref<1x6400xf32, #tpu.memory_space<hbm>>
      %dma_wait3A_29 = tpu.memref_squeeze %dma_wait3A : memref<1x6400xf32, #tpu.memory_space<hbm>> -> memref<6400xf32, #tpu.memory_space<hbm>>
      %dma_wait3A_30 = tpu.memref_slice %arg14[%mul3A_23] : memref<102400xf32, #tpu.memory_space<vmem_shared>> -> memref<6400xf32, #tpu.memory_space<vmem_shared>>
      tpu.wait_dma2 semaphore(%run_scoped3A : memref<!tpu.dma_semaphore, #tpu.memory_space<semaphore_mem>>) src(%dma_wait3A_30 : memref<6400xf32, #tpu.memory_space<vmem_shared>>) dst(%dma_wait3A_29 : memref<6400xf32, #tpu.memory_space<hbm>>)
      tpu.yield
    }) : () -> ()
    return
  }
}

#map = affine_map<(d0, d1) -> (0)>
#map1 = affine_map<(d0, d1) -> (0, 0)>
module attributes {stable_mosaic.version = 14 : i64} {
  func.func @scatter(%arg0: i32, %arg1: i32, %arg2: memref<3200000xf32, #tpu.memory_space<hbm>>, %arg3: memref<3200000xi32, #tpu.memory_space<hbm>>, %arg4: memref<6400xf32, #tpu.memory_space<hbm>>, %arg5: memref<10000xf32, #tpu.memory_space<hbm>>, %arg6: memref<2x102400xf32, #tpu.memory_space<hbm>>, %arg7: memref<2x102400xf32, #tpu.memory_space<hbm>>, %arg8: memref<10000xf32, #tpu.memory_space<vmem>>, %arg9: memref<10000xi32, #tpu.memory_space<vmem>>, %arg10: memref<10000xf32, #tpu.memory_space<vmem>>, %arg11: memref<10000xi32, #tpu.memory_space<vmem>>, %arg12: memref<10000xf32, #tpu.memory_space<vmem>>, %arg13: memref<102400xf32, #tpu.memory_space<vmem_shared>>, %arg14: memref<102400xf32, #tpu.memory_space<vmem_shared>>, %arg15: memref<!tpu.dma_semaphore, #tpu.memory_space<semaphore_mem>>, %arg16: memref<!tpu.dma_semaphore, #tpu.memory_space<semaphore_mem>>, %arg17: memref<!tpu.dma_semaphore, #tpu.memory_space<semaphore_mem>>, %arg18: memref<!tpu.dma_semaphore, #tpu.memory_space<semaphore_mem>>, %arg19: memref<!tpu.dma_semaphore, #tpu.memory_space<semaphore_mem>>, %arg20: memref<!tpu.dma_semaphore, #tpu.memory_space<semaphore_mem>>, %arg21: memref<!tpu.dma_semaphore, #tpu.memory_space<semaphore_mem>>, %arg22: memref<!tpu.dma_semaphore, #tpu.memory_space<semaphore_mem>>) attributes {dimension_semantics = [#tpu.dimension_semantics<core_parallel>, #tpu.dimension_semantics<subcore_parallel>], iteration_bounds = array<i64: 2, 16>, scalar_prefetch = 0 : i64, scratch_operands = 15 : i64, tpu.core_type = #tpu.core_type<sc_vector_subcore>, window_params = [{transform_indices = #map}, {transform_indices = #map}, {transform_indices = #map}, {transform_indices = #map}, {transform_indices = #map1}, {transform_indices = #map1}]} {
    %mul3A = arith.constant 16 : i32
    %mul3A_0 = arith.muli %arg0, %mul3A : i32
    %add3A = arith.addi %mul3A_0, %arg1 : i32
    %mul3A_1 = arith.constant 6400 : i32
    %mul3A_2 = arith.muli %arg1, %mul3A_1 : i32
    "tpu.region"() ({
      %run_scoped3A = tpu.sem_alloc : memref<!tpu.dma_semaphore, #tpu.memory_space<semaphore_mem>>
      %dma_start3A_26 = tpu.memref_slice %arg13[%mul3A_2] : memref<102400xf32, #tpu.memory_space<vmem_shared>> -> memref<6400xf32, #tpu.memory_space<vmem_shared>>
      tpu.enqueue_dma source(%arg4 : memref<6400xf32, #tpu.memory_space<hbm>>) target(%dma_start3A_26 : memref<6400xf32, #tpu.memory_space<vmem_shared>>) target_semaphore(%run_scoped3A : memref<!tpu.dma_semaphore, #tpu.memory_space<semaphore_mem>>)
      %dma_wait3A = tpu.memref_slice %arg13[%mul3A_2] : memref<102400xf32, #tpu.memory_space<vmem_shared>> -> memref<6400xf32, #tpu.memory_space<vmem_shared>>
      tpu.wait_dma2 semaphore(%run_scoped3A : memref<!tpu.dma_semaphore, #tpu.memory_space<semaphore_mem>>) src(%arg4 : memref<6400xf32, #tpu.memory_space<hbm>>) dst(%dma_wait3A : memref<6400xf32, #tpu.memory_space<vmem_shared>>)
      tpu.yield
    }) : () -> ()
    %mul3A_3 = arith.constant 6400 : i32
    %mul3A_4 = arith.muli %arg1, %mul3A_3 : i32
    "tpu.region"() ({
      %run_scoped3A = tpu.sem_alloc : memref<!tpu.dma_semaphore, #tpu.memory_space<semaphore_mem>>
      %dma_start3A_26 = tpu.memref_slice %arg14[%mul3A_4] : memref<102400xf32, #tpu.memory_space<vmem_shared>> -> memref<6400xf32, #tpu.memory_space<vmem_shared>>
      tpu.enqueue_dma source(%arg4 : memref<6400xf32, #tpu.memory_space<hbm>>) target(%dma_start3A_26 : memref<6400xf32, #tpu.memory_space<vmem_shared>>) target_semaphore(%run_scoped3A : memref<!tpu.dma_semaphore, #tpu.memory_space<semaphore_mem>>)
      %dma_wait3A = tpu.memref_slice %arg14[%mul3A_4] : memref<102400xf32, #tpu.memory_space<vmem_shared>> -> memref<6400xf32, #tpu.memory_space<vmem_shared>>
      tpu.wait_dma2 semaphore(%run_scoped3A : memref<!tpu.dma_semaphore, #tpu.memory_space<semaphore_mem>>) src(%arg4 : memref<6400xf32, #tpu.memory_space<hbm>>) dst(%dma_wait3A : memref<6400xf32, #tpu.memory_space<vmem_shared>>)
      tpu.yield
    }) : () -> ()
    "tpu.region"() ({
      %run_scoped3A = tpu.sem_alloc : memref<!tpu.dma_semaphore, #tpu.memory_space<semaphore_mem>>
      tpu.enqueue_dma source(%arg5 : memref<10000xf32, #tpu.memory_space<hbm>>) target(%arg12 : memref<10000xf32, #tpu.memory_space<vmem>>) target_semaphore(%run_scoped3A : memref<!tpu.dma_semaphore, #tpu.memory_space<semaphore_mem>>)
      tpu.wait_dma2 semaphore(%run_scoped3A : memref<!tpu.dma_semaphore, #tpu.memory_space<semaphore_mem>>) src(%arg5 : memref<10000xf32, #tpu.memory_space<hbm>>) dst(%arg12 : memref<10000xf32, #tpu.memory_space<vmem>>)
      tpu.yield
    }) : () -> ()
    %barrier3A = arith.constant 0 : index
    tpu.barrier barrier_id(%barrier3A)
    %mul3A_5 = arith.constant 100000 : i32
    %mul3A_6 = arith.muli %add3A, %mul3A_5 : i32
    %add3A_7 = arith.constant 0 : i32
    %add3A_8 = arith.addi %mul3A_6, %add3A_7 : i32
    %multiple_of3A = tpu.assume_multiple %add3A_8, 8 : i32
    %dma_start3A = tpu.memref_slice %arg2[%multiple_of3A] : memref<3200000xf32, #tpu.memory_space<hbm>> -> memref<10000xf32, #tpu.memory_space<hbm>>
    %dma_start3A_9 = tpu.memref_slice %arg2[%multiple_of3A] : memref<3200000xf32, #tpu.memory_space<hbm>> -> memref<10000xf32, #tpu.memory_space<hbm>>
    tpu.enqueue_dma source(%dma_start3A_9 : memref<10000xf32, #tpu.memory_space<hbm>>) target(%arg8 : memref<10000xf32, #tpu.memory_space<vmem>>) target_semaphore(%arg15 : memref<!tpu.dma_semaphore, #tpu.memory_space<semaphore_mem>>)
    %dma_start3A_10 = tpu.memref_slice %arg3[%multiple_of3A] : memref<3200000xi32, #tpu.memory_space<hbm>> -> memref<10000xi32, #tpu.memory_space<hbm>>
    %dma_start3A_11 = tpu.memref_slice %arg3[%multiple_of3A] : memref<3200000xi32, #tpu.memory_space<hbm>> -> memref<10000xi32, #tpu.memory_space<hbm>>
    tpu.enqueue_dma source(%dma_start3A_11 : memref<10000xi32, #tpu.memory_space<hbm>>) target(%arg9 : memref<10000xi32, #tpu.memory_space<vmem>>) target_semaphore(%arg16 : memref<!tpu.dma_semaphore, #tpu.memory_space<semaphore_mem>>)
    %scan3A = arith.constant 0 : i32
    %scan3A_12 = arith.constant 0 : i32
    %scan3A_13 = arith.constant 5 : i32
    %scan3A_14 = arith.addi %scan3A_12, %scan3A_13 : i32
    %scan3A_15 = arith.constant 1 : i32
    scf.for %scan3A_26 = %scan3A_12 to %scan3A_14 step %scan3A_15  : i32 {
      %mul3A_27 = arith.constant 2 : i32
      %mul3A_28 = arith.muli %mul3A_27, %scan3A_26 : i32
      %dma_wait3A = arith.constant 0 : i32
      %dma_wait3A_29 = tpu.memref_slice %arg2[%dma_wait3A] : memref<3200000xf32, #tpu.memory_space<hbm>> -> memref<10000xf32, #tpu.memory_space<hbm>>
      %dma_wait3A_30 = arith.constant 0 : i32
      %dma_wait3A_31 = tpu.memref_slice %arg2[%dma_wait3A_30] : memref<3200000xf32, #tpu.memory_space<hbm>> -> memref<10000xf32, #tpu.memory_space<hbm>>
      tpu.wait_dma2 semaphore(%arg15 : memref<!tpu.dma_semaphore, #tpu.memory_space<semaphore_mem>>) src(%dma_wait3A_31 : memref<10000xf32, #tpu.memory_space<hbm>>) dst(%arg8 : memref<10000xf32, #tpu.memory_space<vmem>>)
      %dma_wait3A_32 = arith.constant 0 : i32
      %dma_wait3A_33 = tpu.memref_slice %arg3[%dma_wait3A_32] : memref<3200000xi32, #tpu.memory_space<hbm>> -> memref<10000xi32, #tpu.memory_space<hbm>>
      %dma_wait3A_34 = arith.constant 0 : i32
      %dma_wait3A_35 = tpu.memref_slice %arg3[%dma_wait3A_34] : memref<3200000xi32, #tpu.memory_space<hbm>> -> memref<10000xi32, #tpu.memory_space<hbm>>
      tpu.wait_dma2 semaphore(%arg16 : memref<!tpu.dma_semaphore, #tpu.memory_space<semaphore_mem>>) src(%dma_wait3A_35 : memref<10000xi32, #tpu.memory_space<hbm>>) dst(%arg9 : memref<10000xi32, #tpu.memory_space<vmem>>)
      %dma_start3A_36 = arith.constant 0 : i32
      %dma_start3A_37 = tpu.memref_slice %arg13[%dma_start3A_36] : memref<102400xf32, #tpu.memory_space<vmem_shared>> -> memref<102400xf32, #tpu.memory_space<vmem_shared>>
      tpu.enqueue_indirect_dma source(%arg8 : memref<10000xf32, #tpu.memory_space<vmem>>) target(%dma_start3A_37 : memref<102400xf32, #tpu.memory_space<vmem_shared>>) offsets(%arg9 : memref<10000xi32, #tpu.memory_space<vmem>>) semaphore(%arg19 : memref<!tpu.dma_semaphore, #tpu.memory_space<semaphore_mem>>) {add = true}
      %dma_start3A_38 = arith.constant 0 : i32
      %dma_start3A_39 = tpu.memref_slice %arg14[%dma_start3A_38] : memref<102400xf32, #tpu.memory_space<vmem_shared>> -> memref<102400xf32, #tpu.memory_space<vmem_shared>>
      tpu.enqueue_indirect_dma source(%arg12 : memref<10000xf32, #tpu.memory_space<vmem>>) target(%dma_start3A_39 : memref<102400xf32, #tpu.memory_space<vmem_shared>>) offsets(%arg9 : memref<10000xi32, #tpu.memory_space<vmem>>) semaphore(%arg20 : memref<!tpu.dma_semaphore, #tpu.memory_space<semaphore_mem>>) {add = true}
      %add3A_40 = arith.constant 1 : i32
      %add3A_41 = arith.addi %mul3A_28, %add3A_40 : i32
      %mul3A_42 = arith.constant 100000 : i32
      %mul3A_43 = arith.muli %add3A, %mul3A_42 : i32
      %mul3A_44 = arith.constant 10000 : i32
      %mul3A_45 = arith.muli %add3A_41, %mul3A_44 : i32
      %add3A_46 = arith.addi %mul3A_43, %mul3A_45 : i32
      %multiple_of3A_47 = tpu.assume_multiple %add3A_46, 8 : i32
      %dma_start3A_48 = tpu.memref_slice %arg2[%multiple_of3A_47] : memref<3200000xf32, #tpu.memory_space<hbm>> -> memref<10000xf32, #tpu.memory_space<hbm>>
      %dma_start3A_49 = tpu.memref_slice %arg2[%multiple_of3A_47] : memref<3200000xf32, #tpu.memory_space<hbm>> -> memref<10000xf32, #tpu.memory_space<hbm>>
      tpu.enqueue_dma source(%dma_start3A_49 : memref<10000xf32, #tpu.memory_space<hbm>>) target(%arg10 : memref<10000xf32, #tpu.memory_space<vmem>>) target_semaphore(%arg17 : memref<!tpu.dma_semaphore, #tpu.memory_space<semaphore_mem>>)
      %dma_start3A_50 = tpu.memref_slice %arg3[%multiple_of3A_47] : memref<3200000xi32, #tpu.memory_space<hbm>> -> memref<10000xi32, #tpu.memory_space<hbm>>
      %dma_start3A_51 = tpu.memref_slice %arg3[%multiple_of3A_47] : memref<3200000xi32, #tpu.memory_space<hbm>> -> memref<10000xi32, #tpu.memory_space<hbm>>
      tpu.enqueue_dma source(%dma_start3A_51 : memref<10000xi32, #tpu.memory_space<hbm>>) target(%arg11 : memref<10000xi32, #tpu.memory_space<vmem>>) target_semaphore(%arg18 : memref<!tpu.dma_semaphore, #tpu.memory_space<semaphore_mem>>)
      %dma_wait3A_52 = arith.constant 0 : i32
      %dma_wait3A_53 = tpu.memref_slice %arg13[%dma_wait3A_52] : memref<102400xf32, #tpu.memory_space<vmem_shared>> -> memref<102400xf32, #tpu.memory_space<vmem_shared>>
      tpu.wait_indirect_dma semaphore(%arg19 : memref<!tpu.dma_semaphore, #tpu.memory_space<semaphore_mem>>) src(%arg8 : memref<10000xf32, #tpu.memory_space<vmem>>) dst(%dma_wait3A_53 : memref<102400xf32, #tpu.memory_space<vmem_shared>>)
      %dma_wait3A_54 = arith.constant 0 : i32
      %dma_wait3A_55 = tpu.memref_slice %arg14[%dma_wait3A_54] : memref<102400xf32, #tpu.memory_space<vmem_shared>> -> memref<102400xf32, #tpu.memory_space<vmem_shared>>
      tpu.wait_indirect_dma semaphore(%arg20 : memref<!tpu.dma_semaphore, #tpu.memory_space<semaphore_mem>>) src(%arg12 : memref<10000xf32, #tpu.memory_space<vmem>>) dst(%dma_wait3A_55 : memref<102400xf32, #tpu.memory_space<vmem_shared>>)
      %dma_wait3A_56 = arith.constant 0 : i32
      %dma_wait3A_57 = tpu.memref_slice %arg2[%dma_wait3A_56] : memref<3200000xf32, #tpu.memory_space<hbm>> -> memref<10000xf32, #tpu.memory_space<hbm>>
      %dma_wait3A_58 = arith.constant 0 : i32
      %dma_wait3A_59 = tpu.memref_slice %arg2[%dma_wait3A_58] : memref<3200000xf32, #tpu.memory_space<hbm>> -> memref<10000xf32, #tpu.memory_space<hbm>>
      tpu.wait_dma2 semaphore(%arg17 : memref<!tpu.dma_semaphore, #tpu.memory_space<semaphore_mem>>) src(%dma_wait3A_59 : memref<10000xf32, #tpu.memory_space<hbm>>) dst(%arg10 : memref<10000xf32, #tpu.memory_space<vmem>>)
      %dma_wait3A_60 = arith.constant 0 : i32
      %dma_wait3A_61 = tpu.memref_slice %arg3[%dma_wait3A_60] : memref<3200000xi32, #tpu.memory_space<hbm>> -> memref<10000xi32, #tpu.memory_space<hbm>>
      %dma_wait3A_62 = arith.constant 0 : i32
      %dma_wait3A_63 = tpu.memref_slice %arg3[%dma_wait3A_62] : memref<3200000xi32, #tpu.memory_space<hbm>> -> memref<10000xi32, #tpu.memory_space<hbm>>
      tpu.wait_dma2 semaphore(%arg18 : memref<!tpu.dma_semaphore, #tpu.memory_space<semaphore_mem>>) src(%dma_wait3A_63 : memref<10000xi32, #tpu.memory_space<hbm>>) dst(%arg11 : memref<10000xi32, #tpu.memory_space<vmem>>)
      %dma_start3A_64 = arith.constant 0 : i32
      %dma_start3A_65 = tpu.memref_slice %arg13[%dma_start3A_64] : memref<102400xf32, #tpu.memory_space<vmem_shared>> -> memref<102400xf32, #tpu.memory_space<vmem_shared>>
      tpu.enqueue_indirect_dma source(%arg10 : memref<10000xf32, #tpu.memory_space<vmem>>) target(%dma_start3A_65 : memref<102400xf32, #tpu.memory_space<vmem_shared>>) offsets(%arg11 : memref<10000xi32, #tpu.memory_space<vmem>>) semaphore(%arg21 : memref<!tpu.dma_semaphore, #tpu.memory_space<semaphore_mem>>) {add = true}
      %dma_start3A_66 = arith.constant 0 : i32
      %dma_start3A_67 = tpu.memref_slice %arg14[%dma_start3A_66] : memref<102400xf32, #tpu.memory_space<vmem_shared>> -> memref<102400xf32, #tpu.memory_space<vmem_shared>>
      tpu.enqueue_indirect_dma source(%arg12 : memref<10000xf32, #tpu.memory_space<vmem>>) target(%dma_start3A_67 : memref<102400xf32, #tpu.memory_space<vmem_shared>>) offsets(%arg11 : memref<10000xi32, #tpu.memory_space<vmem>>) semaphore(%arg22 : memref<!tpu.dma_semaphore, #tpu.memory_space<semaphore_mem>>) {add = true}
      %lt3A = arith.constant 4 : i32
      %lt3A_68 = arith.cmpi slt, %scan3A_26, %lt3A : i32
      %convert_element_type3A = arith.extui %lt3A_68 : i1 to i32
      %cond3A = arith.constant 0 : i32
      %cond3A_69 = arith.cmpi ne, %convert_element_type3A, %cond3A : i32
      scf.if %cond3A_69 {
        %add3A_74 = arith.constant 2 : i32
        %add3A_75 = arith.addi %mul3A_28, %add3A_74 : i32
        %mul3A_76 = arith.constant 100000 : i32
        %mul3A_77 = arith.muli %add3A, %mul3A_76 : i32
        %mul3A_78 = arith.constant 10000 : i32
        %mul3A_79 = arith.muli %add3A_75, %mul3A_78 : i32
        %add3A_80 = arith.addi %mul3A_77, %mul3A_79 : i32
        %multiple_of3A_81 = tpu.assume_multiple %add3A_80, 8 : i32
        %dma_start3A_82 = tpu.memref_slice %arg2[%multiple_of3A_81] : memref<3200000xf32, #tpu.memory_space<hbm>> -> memref<10000xf32, #tpu.memory_space<hbm>>
        %dma_start3A_83 = tpu.memref_slice %arg2[%multiple_of3A_81] : memref<3200000xf32, #tpu.memory_space<hbm>> -> memref<10000xf32, #tpu.memory_space<hbm>>
        tpu.enqueue_dma source(%dma_start3A_83 : memref<10000xf32, #tpu.memory_space<hbm>>) target(%arg8 : memref<10000xf32, #tpu.memory_space<vmem>>) target_semaphore(%arg15 : memref<!tpu.dma_semaphore, #tpu.memory_space<semaphore_mem>>)
        %dma_start3A_84 = tpu.memref_slice %arg3[%multiple_of3A_81] : memref<3200000xi32, #tpu.memory_space<hbm>> -> memref<10000xi32, #tpu.memory_space<hbm>>
        %dma_start3A_85 = tpu.memref_slice %arg3[%multiple_of3A_81] : memref<3200000xi32, #tpu.memory_space<hbm>> -> memref<10000xi32, #tpu.memory_space<hbm>>
        tpu.enqueue_dma source(%dma_start3A_85 : memref<10000xi32, #tpu.memory_space<hbm>>) target(%arg9 : memref<10000xi32, #tpu.memory_space<vmem>>) target_semaphore(%arg16 : memref<!tpu.dma_semaphore, #tpu.memory_space<semaphore_mem>>)
      } else {
      }
      %dma_wait3A_70 = arith.constant 0 : i32
      %dma_wait3A_71 = tpu.memref_slice %arg13[%dma_wait3A_70] : memref<102400xf32, #tpu.memory_space<vmem_shared>> -> memref<102400xf32, #tpu.memory_space<vmem_shared>>
      tpu.wait_indirect_dma semaphore(%arg21 : memref<!tpu.dma_semaphore, #tpu.memory_space<semaphore_mem>>) src(%arg10 : memref<10000xf32, #tpu.memory_space<vmem>>) dst(%dma_wait3A_71 : memref<102400xf32, #tpu.memory_space<vmem_shared>>)
      %dma_wait3A_72 = arith.constant 0 : i32
      %dma_wait3A_73 = tpu.memref_slice %arg14[%dma_wait3A_72] : memref<102400xf32, #tpu.memory_space<vmem_shared>> -> memref<102400xf32, #tpu.memory_space<vmem_shared>>
      tpu.wait_indirect_dma semaphore(%arg22 : memref<!tpu.dma_semaphore, #tpu.memory_space<semaphore_mem>>) src(%arg12 : memref<10000xf32, #tpu.memory_space<vmem>>) dst(%dma_wait3A_73 : memref<102400xf32, #tpu.memory_space<vmem_shared>>)
    }
    %scan3A_16 = arith.constant 5 : i32
    %barrier3A_17 = arith.constant 0 : index
    tpu.barrier barrier_id(%barrier3A_17)
    %mul3A_18 = arith.constant 6400 : i32
    %mul3A_19 = arith.muli %arg1, %mul3A_18 : i32
    %mul3A_20 = arith.constant 6400 : i32
    %mul3A_21 = arith.muli %arg1, %mul3A_20 : i32
    "tpu.region"() ({
      %run_scoped3A = tpu.sem_alloc : memref<!tpu.dma_semaphore, #tpu.memory_space<semaphore_mem>>
      %dma_start3A_26 = tpu.memref_slice %arg6[%arg0, %mul3A_21] : memref<2x102400xf32, #tpu.memory_space<hbm>> -> memref<1x6400xf32, #tpu.memory_space<hbm>>
      %dma_start3A_27 = tpu.memref_squeeze %dma_start3A_26 : memref<1x6400xf32, #tpu.memory_space<hbm>> -> memref<6400xf32, #tpu.memory_space<hbm>>
      %dma_start3A_28 = tpu.memref_slice %arg13[%mul3A_19] : memref<102400xf32, #tpu.memory_space<vmem_shared>> -> memref<6400xf32, #tpu.memory_space<vmem_shared>>
      tpu.enqueue_dma source(%dma_start3A_28 : memref<6400xf32, #tpu.memory_space<vmem_shared>>) target(%dma_start3A_27 : memref<6400xf32, #tpu.memory_space<hbm>>) target_semaphore(%run_scoped3A : memref<!tpu.dma_semaphore, #tpu.memory_space<semaphore_mem>>)
      %dma_wait3A = tpu.memref_slice %arg6[%arg0, %mul3A_21] : memref<2x102400xf32, #tpu.memory_space<hbm>> -> memref<1x6400xf32, #tpu.memory_space<hbm>>
      %dma_wait3A_29 = tpu.memref_squeeze %dma_wait3A : memref<1x6400xf32, #tpu.memory_space<hbm>> -> memref<6400xf32, #tpu.memory_space<hbm>>
      %dma_wait3A_30 = tpu.memref_slice %arg13[%mul3A_19] : memref<102400xf32, #tpu.memory_space<vmem_shared>> -> memref<6400xf32, #tpu.memory_space<vmem_shared>>
      tpu.wait_dma2 semaphore(%run_scoped3A : memref<!tpu.dma_semaphore, #tpu.memory_space<semaphore_mem>>) src(%dma_wait3A_30 : memref<6400xf32, #tpu.memory_space<vmem_shared>>) dst(%dma_wait3A_29 : memref<6400xf32, #tpu.memory_space<hbm>>)
      tpu.yield
    }) : () -> ()
    %mul3A_22 = arith.constant 6400 : i32
    %mul3A_23 = arith.muli %arg1, %mul3A_22 : i32
    %mul3A_24 = arith.constant 6400 : i32
    %mul3A_25 = arith.muli %arg1, %mul3A_24 : i32
    "tpu.region"() ({
      %run_scoped3A = tpu.sem_alloc : memref<!tpu.dma_semaphore, #tpu.memory_space<semaphore_mem>>
      %dma_start3A_26 = tpu.memref_slice %arg7[%arg0, %mul3A_25] : memref<2x102400xf32, #tpu.memory_space<hbm>> -> memref<1x6400xf32, #tpu.memory_space<hbm>>
      %dma_start3A_27 = tpu.memref_squeeze %dma_start3A_26 : memref<1x6400xf32, #tpu.memory_space<hbm>> -> memref<6400xf32, #tpu.memory_space<hbm>>
      %dma_start3A_28 = tpu.memref_slice %arg14[%mul3A_23] : memref<102400xf32, #tpu.memory_space<vmem_shared>> -> memref<6400xf32, #tpu.memory_space<vmem_shared>>
      tpu.enqueue_dma source(%dma_start3A_28 : memref<6400xf32, #tpu.memory_space<vmem_shared>>) target(%dma_start3A_27 : memref<6400xf32, #tpu.memory_space<hbm>>) target_semaphore(%run_scoped3A : memref<!tpu.dma_semaphore, #tpu.memory_space<semaphore_mem>>)
      %dma_wait3A = tpu.memref_slice %arg7[%arg0, %mul3A_25] : memref<2x102400xf32, #tpu.memory_space<hbm>> -> memref<1x6400xf32, #tpu.memory_space<hbm>>
      %dma_wait3A_29 = tpu.memref_squeeze %dma_wait3A : memref<1x6400xf32, #tpu.memory_space<hbm>> -> memref<6400xf32, #tpu.memory_space<hbm>>
      %dma_wait3A_30 = tpu.memref_slice %arg14[%mul3A_23] : memref<102400xf32, #tpu.memory_space<vmem_shared>> -> memref<6400xf32, #tpu.memory_space<vmem_shared>>
      tpu.wait_dma2 semaphore(%run_scoped3A : memref<!tpu.dma_semaphore, #tpu.memory_space<semaphore_mem>>) src(%dma_wait3A_30 : memref<6400xf32, #tpu.memory_space<vmem_shared>>) dst(%dma_wait3A_29 : memref<6400xf32, #tpu.memory_space<hbm>>)
      tpu.yield
    }) : () -> ()
    return
  }
}

module attributes {stable_mosaic.version = 14 : i64} {
  func.func @_prep_body(%arg0: i32, %arg1: memref<6x128000xf32, #tpu.memory_space<vmem>>, %arg2: memref<2x128000xi32, #tpu.memory_space<vmem>>, %arg3: memref<1x6xf32, #tpu.memory_space<smem>>, %arg4: memref<1xf32, #tpu.memory_space<smem>>, %arg5: memref<128000xf32, #tpu.memory_space<vmem>>, %arg6: memref<128000xi32, #tpu.memory_space<vmem>>) attributes {dimension_semantics = [#tpu.dimension_semantics<arbitrary>], iteration_bounds = array<i64: 25>, scalar_prefetch = 0 : i64, scratch_operands = 0 : i64, tpu.core_type = #tpu.core_type<tc>, window_params = [{transform_indices = @transform_0, window_bounds = array<i64: 6, 128000>}, {transform_indices = @transform_1, window_bounds = array<i64: 2, 128000>}, {transform_indices = @transform_2, window_bounds = array<i64: 1, 6>}, {transform_indices = @transform_3, window_bounds = array<i64: 1>}, {transform_indices = @transform_4, window_bounds = array<i64: 128000>}, {transform_indices = @transform_5, window_bounds = array<i64: 128000>}]} {
    %get3A = arith.constant 0 : index
    %get3A_0 = arith.constant 0 : index
    %get3A_1 = vector.load %arg1[%get3A, %get3A_0] : memref<6x128000xf32, #tpu.memory_space<vmem>>, vector<6x128000xf32>
    %slice3A = vector.extract_strided_slice %get3A_1 {offsets = [0, 0], sizes = [1, 128000], strides = [1, 1]} : vector<6x128000xf32> to vector<1x128000xf32>
    %squeeze3A = vector.shape_cast %slice3A : vector<1x128000xf32> to vector<128000xf32>
    %get3A_2 = arith.constant 0 : index
    %get3A_3 = arith.constant 0 : index
    %get3A_4 = memref.load %arg3[%get3A_2, %get3A_3] : memref<1x6xf32, #tpu.memory_space<smem>>
    %mul3A = vector.broadcast %get3A_4 : f32 to vector<128000xf32>
    %mul3A_5 = arith.mulf %squeeze3A, %mul3A : vector<128000xf32>
    %slice3A_6 = vector.extract_strided_slice %get3A_1 {offsets = [1, 0], sizes = [1, 128000], strides = [1, 1]} : vector<6x128000xf32> to vector<1x128000xf32>
    %squeeze3A_7 = vector.shape_cast %slice3A_6 : vector<1x128000xf32> to vector<128000xf32>
    %get3A_8 = arith.constant 0 : index
    %get3A_9 = arith.constant 1 : index
    %get3A_10 = memref.load %arg3[%get3A_8, %get3A_9] : memref<1x6xf32, #tpu.memory_space<smem>>
    %mul3A_11 = vector.broadcast %get3A_10 : f32 to vector<128000xf32>
    %mul3A_12 = arith.mulf %squeeze3A_7, %mul3A_11 : vector<128000xf32>
    %add3A = arith.addf %mul3A_5, %mul3A_12 : vector<128000xf32>
    %slice3A_13 = vector.extract_strided_slice %get3A_1 {offsets = [2, 0], sizes = [1, 128000], strides = [1, 1]} : vector<6x128000xf32> to vector<1x128000xf32>
    %squeeze3A_14 = vector.shape_cast %slice3A_13 : vector<1x128000xf32> to vector<128000xf32>
    %get3A_15 = arith.constant 0 : index
    %get3A_16 = arith.constant 2 : index
    %get3A_17 = memref.load %arg3[%get3A_15, %get3A_16] : memref<1x6xf32, #tpu.memory_space<smem>>
    %mul3A_18 = vector.broadcast %get3A_17 : f32 to vector<128000xf32>
    %mul3A_19 = arith.mulf %squeeze3A_14, %mul3A_18 : vector<128000xf32>
    %add3A_20 = arith.addf %add3A, %mul3A_19 : vector<128000xf32>
    %slice3A_21 = vector.extract_strided_slice %get3A_1 {offsets = [3, 0], sizes = [1, 128000], strides = [1, 1]} : vector<6x128000xf32> to vector<1x128000xf32>
    %squeeze3A_22 = vector.shape_cast %slice3A_21 : vector<1x128000xf32> to vector<128000xf32>
    %get3A_23 = arith.constant 0 : index
    %get3A_24 = arith.constant 3 : index
    %get3A_25 = memref.load %arg3[%get3A_23, %get3A_24] : memref<1x6xf32, #tpu.memory_space<smem>>
    %mul3A_26 = vector.broadcast %get3A_25 : f32 to vector<128000xf32>
    %mul3A_27 = arith.mulf %squeeze3A_22, %mul3A_26 : vector<128000xf32>
    %add3A_28 = arith.addf %add3A_20, %mul3A_27 : vector<128000xf32>
    %slice3A_29 = vector.extract_strided_slice %get3A_1 {offsets = [4, 0], sizes = [1, 128000], strides = [1, 1]} : vector<6x128000xf32> to vector<1x128000xf32>
    %squeeze3A_30 = vector.shape_cast %slice3A_29 : vector<1x128000xf32> to vector<128000xf32>
    %get3A_31 = arith.constant 0 : index
    %get3A_32 = arith.constant 4 : index
    %get3A_33 = memref.load %arg3[%get3A_31, %get3A_32] : memref<1x6xf32, #tpu.memory_space<smem>>
    %mul3A_34 = vector.broadcast %get3A_33 : f32 to vector<128000xf32>
    %mul3A_35 = arith.mulf %squeeze3A_30, %mul3A_34 : vector<128000xf32>
    %add3A_36 = arith.addf %add3A_28, %mul3A_35 : vector<128000xf32>
    %slice3A_37 = vector.extract_strided_slice %get3A_1 {offsets = [5, 0], sizes = [1, 128000], strides = [1, 1]} : vector<6x128000xf32> to vector<1x128000xf32>
    %squeeze3A_38 = vector.shape_cast %slice3A_37 : vector<1x128000xf32> to vector<128000xf32>
    %get3A_39 = arith.constant 0 : index
    %get3A_40 = arith.constant 5 : index
    %get3A_41 = memref.load %arg3[%get3A_39, %get3A_40] : memref<1x6xf32, #tpu.memory_space<smem>>
    %mul3A_42 = vector.broadcast %get3A_41 : f32 to vector<128000xf32>
    %mul3A_43 = arith.mulf %squeeze3A_38, %mul3A_42 : vector<128000xf32>
    %add3A_44 = arith.addf %add3A_36, %mul3A_43 : vector<128000xf32>
    %get3A_45 = arith.constant 0 : index
    %get3A_46 = memref.load %arg4[%get3A_45] : memref<1xf32, #tpu.memory_space<smem>>
    %add3A_47 = vector.broadcast %get3A_46 : f32 to vector<128000xf32>
    %add3A_48 = arith.addf %add3A_44, %add3A_47 : vector<128000xf32>
    %swap3A = arith.constant 0 : index
    %swap3A_49 = vector.load %arg5[%swap3A] : memref<128000xf32, #tpu.memory_space<vmem>>, vector<128000xf32>
    tpu.vector_store %arg5[%swap3A], %add3A_48 {strides = array<i32>} : memref<128000xf32, #tpu.memory_space<vmem>>, vector<128000xf32>,
    %get3A_50 = arith.constant 1 : index
    %get3A_51 = arith.constant 0 : index
    %get3A_52 = vector.load %arg2[%get3A_50, %get3A_51] : memref<2x128000xi32, #tpu.memory_space<vmem>>, vector<1x128000xi32>
    %get3A_53 = vector.shape_cast %get3A_52 : vector<1x128000xi32> to vector<128000xi32>
    %swap3A_54 = arith.constant 0 : index
    %swap3A_55 = vector.load %arg6[%swap3A_54] : memref<128000xi32, #tpu.memory_space<vmem>>, vector<128000xi32>
    tpu.vector_store %arg6[%swap3A_54], %get3A_53 {strides = array<i32>} : memref<128000xi32, #tpu.memory_space<vmem>>, vector<128000xi32>,
    return
  }
  func.func @transform_0(%arg0: i32) -> (i32, i32) {
    %add3A = arith.constant 25 : i32
    %add3A_0 = arith.addi %arg0, %add3A : i32
    %c0_i32 = arith.constant 0 : i32
    %c0_i32_1 = arith.constant 0 : i32
    return %c0_i32, %add3A_0 : i32, i32
  }
  func.func @transform_1(%arg0: i32) -> (i32, i32) {
    %add3A = arith.constant 25 : i32
    %add3A_0 = arith.addi %arg0, %add3A : i32
    %c0_i32 = arith.constant 0 : i32
    %c0_i32_1 = arith.constant 0 : i32
    return %c0_i32, %add3A_0 : i32, i32
  }
  func.func @transform_2(%arg0: i32) -> (i32, i32) {
    %c0_i32 = arith.constant 0 : i32
    %c0_i32_0 = arith.constant 0 : i32
    %c0_i32_1 = arith.constant 0 : i32
    return %c0_i32, %c0_i32_0 : i32, i32
  }
  func.func @transform_3(%arg0: i32) -> i32 {
    %c0_i32 = arith.constant 0 : i32
    %c0_i32_0 = arith.constant 0 : i32
    return %c0_i32 : i32
  }
  func.func @transform_4(%arg0: i32) -> i32 {
    %c0_i32 = arith.constant 0 : i32
    return %arg0 : i32
  }
  func.func @transform_5(%arg0: i32) -> i32 {
    %c0_i32 = arith.constant 0 : i32
    return %arg0 : i32
  }
}

module attributes {stable_mosaic.version = 14 : i64} {
  func.func @_prep_body(%arg0: i32, %arg1: memref<6x128000xf32, #tpu.memory_space<vmem>>, %arg2: memref<2x128000xi32, #tpu.memory_space<vmem>>, %arg3: memref<1x6xf32, #tpu.memory_space<smem>>, %arg4: memref<1xf32, #tpu.memory_space<smem>>, %arg5: memref<128000xf32, #tpu.memory_space<vmem>>, %arg6: memref<128000xi32, #tpu.memory_space<vmem>>) attributes {dimension_semantics = [#tpu.dimension_semantics<arbitrary>], iteration_bounds = array<i64: 25>, scalar_prefetch = 0 : i64, scratch_operands = 0 : i64, tpu.core_type = #tpu.core_type<tc>, window_params = [{transform_indices = @transform_0, window_bounds = array<i64: 6, 128000>}, {transform_indices = @transform_1, window_bounds = array<i64: 2, 128000>}, {transform_indices = @transform_2, window_bounds = array<i64: 1, 6>}, {transform_indices = @transform_3, window_bounds = array<i64: 1>}, {transform_indices = @transform_4, window_bounds = array<i64: 128000>}, {transform_indices = @transform_5, window_bounds = array<i64: 128000>}]} {
    %get3A = arith.constant 0 : index
    %get3A_0 = arith.constant 0 : index
    %get3A_1 = vector.load %arg1[%get3A, %get3A_0] : memref<6x128000xf32, #tpu.memory_space<vmem>>, vector<6x128000xf32>
    %slice3A = vector.extract_strided_slice %get3A_1 {offsets = [0, 0], sizes = [1, 128000], strides = [1, 1]} : vector<6x128000xf32> to vector<1x128000xf32>
    %squeeze3A = vector.shape_cast %slice3A : vector<1x128000xf32> to vector<128000xf32>
    %get3A_2 = arith.constant 0 : index
    %get3A_3 = arith.constant 0 : index
    %get3A_4 = memref.load %arg3[%get3A_2, %get3A_3] : memref<1x6xf32, #tpu.memory_space<smem>>
    %mul3A = vector.broadcast %get3A_4 : f32 to vector<128000xf32>
    %mul3A_5 = arith.mulf %squeeze3A, %mul3A : vector<128000xf32>
    %slice3A_6 = vector.extract_strided_slice %get3A_1 {offsets = [1, 0], sizes = [1, 128000], strides = [1, 1]} : vector<6x128000xf32> to vector<1x128000xf32>
    %squeeze3A_7 = vector.shape_cast %slice3A_6 : vector<1x128000xf32> to vector<128000xf32>
    %get3A_8 = arith.constant 0 : index
    %get3A_9 = arith.constant 1 : index
    %get3A_10 = memref.load %arg3[%get3A_8, %get3A_9] : memref<1x6xf32, #tpu.memory_space<smem>>
    %mul3A_11 = vector.broadcast %get3A_10 : f32 to vector<128000xf32>
    %mul3A_12 = arith.mulf %squeeze3A_7, %mul3A_11 : vector<128000xf32>
    %add3A = arith.addf %mul3A_5, %mul3A_12 : vector<128000xf32>
    %slice3A_13 = vector.extract_strided_slice %get3A_1 {offsets = [2, 0], sizes = [1, 128000], strides = [1, 1]} : vector<6x128000xf32> to vector<1x128000xf32>
    %squeeze3A_14 = vector.shape_cast %slice3A_13 : vector<1x128000xf32> to vector<128000xf32>
    %get3A_15 = arith.constant 0 : index
    %get3A_16 = arith.constant 2 : index
    %get3A_17 = memref.load %arg3[%get3A_15, %get3A_16] : memref<1x6xf32, #tpu.memory_space<smem>>
    %mul3A_18 = vector.broadcast %get3A_17 : f32 to vector<128000xf32>
    %mul3A_19 = arith.mulf %squeeze3A_14, %mul3A_18 : vector<128000xf32>
    %add3A_20 = arith.addf %add3A, %mul3A_19 : vector<128000xf32>
    %slice3A_21 = vector.extract_strided_slice %get3A_1 {offsets = [3, 0], sizes = [1, 128000], strides = [1, 1]} : vector<6x128000xf32> to vector<1x128000xf32>
    %squeeze3A_22 = vector.shape_cast %slice3A_21 : vector<1x128000xf32> to vector<128000xf32>
    %get3A_23 = arith.constant 0 : index
    %get3A_24 = arith.constant 3 : index
    %get3A_25 = memref.load %arg3[%get3A_23, %get3A_24] : memref<1x6xf32, #tpu.memory_space<smem>>
    %mul3A_26 = vector.broadcast %get3A_25 : f32 to vector<128000xf32>
    %mul3A_27 = arith.mulf %squeeze3A_22, %mul3A_26 : vector<128000xf32>
    %add3A_28 = arith.addf %add3A_20, %mul3A_27 : vector<128000xf32>
    %slice3A_29 = vector.extract_strided_slice %get3A_1 {offsets = [4, 0], sizes = [1, 128000], strides = [1, 1]} : vector<6x128000xf32> to vector<1x128000xf32>
    %squeeze3A_30 = vector.shape_cast %slice3A_29 : vector<1x128000xf32> to vector<128000xf32>
    %get3A_31 = arith.constant 0 : index
    %get3A_32 = arith.constant 4 : index
    %get3A_33 = memref.load %arg3[%get3A_31, %get3A_32] : memref<1x6xf32, #tpu.memory_space<smem>>
    %mul3A_34 = vector.broadcast %get3A_33 : f32 to vector<128000xf32>
    %mul3A_35 = arith.mulf %squeeze3A_30, %mul3A_34 : vector<128000xf32>
    %add3A_36 = arith.addf %add3A_28, %mul3A_35 : vector<128000xf32>
    %slice3A_37 = vector.extract_strided_slice %get3A_1 {offsets = [5, 0], sizes = [1, 128000], strides = [1, 1]} : vector<6x128000xf32> to vector<1x128000xf32>
    %squeeze3A_38 = vector.shape_cast %slice3A_37 : vector<1x128000xf32> to vector<128000xf32>
    %get3A_39 = arith.constant 0 : index
    %get3A_40 = arith.constant 5 : index
    %get3A_41 = memref.load %arg3[%get3A_39, %get3A_40] : memref<1x6xf32, #tpu.memory_space<smem>>
    %mul3A_42 = vector.broadcast %get3A_41 : f32 to vector<128000xf32>
    %mul3A_43 = arith.mulf %squeeze3A_38, %mul3A_42 : vector<128000xf32>
    %add3A_44 = arith.addf %add3A_36, %mul3A_43 : vector<128000xf32>
    %get3A_45 = arith.constant 0 : index
    %get3A_46 = memref.load %arg4[%get3A_45] : memref<1xf32, #tpu.memory_space<smem>>
    %add3A_47 = vector.broadcast %get3A_46 : f32 to vector<128000xf32>
    %add3A_48 = arith.addf %add3A_44, %add3A_47 : vector<128000xf32>
    %swap3A = arith.constant 0 : index
    %swap3A_49 = vector.load %arg5[%swap3A] : memref<128000xf32, #tpu.memory_space<vmem>>, vector<128000xf32>
    tpu.vector_store %arg5[%swap3A], %add3A_48 {strides = array<i32>} : memref<128000xf32, #tpu.memory_space<vmem>>, vector<128000xf32>,
    %get3A_50 = arith.constant 1 : index
    %get3A_51 = arith.constant 0 : index
    %get3A_52 = vector.load %arg2[%get3A_50, %get3A_51] : memref<2x128000xi32, #tpu.memory_space<vmem>>, vector<1x128000xi32>
    %get3A_53 = vector.shape_cast %get3A_52 : vector<1x128000xi32> to vector<128000xi32>
    %swap3A_54 = arith.constant 0 : index
    %swap3A_55 = vector.load %arg6[%swap3A_54] : memref<128000xi32, #tpu.memory_space<vmem>>, vector<128000xi32>
    tpu.vector_store %arg6[%swap3A_54], %get3A_53 {strides = array<i32>} : memref<128000xi32, #tpu.memory_space<vmem>>, vector<128000xi32>,
    return
  }
  func.func @transform_0(%arg0: i32) -> (i32, i32) {
    %add3A = arith.constant 0 : i32
    %add3A_0 = arith.addi %arg0, %add3A : i32
    %c0_i32 = arith.constant 0 : i32
    %c0_i32_1 = arith.constant 0 : i32
    return %c0_i32, %add3A_0 : i32, i32
  }
  func.func @transform_1(%arg0: i32) -> (i32, i32) {
    %add3A = arith.constant 0 : i32
    %add3A_0 = arith.addi %arg0, %add3A : i32
    %c0_i32 = arith.constant 0 : i32
    %c0_i32_1 = arith.constant 0 : i32
    return %c0_i32, %add3A_0 : i32, i32
  }
  func.func @transform_2(%arg0: i32) -> (i32, i32) {
    %c0_i32 = arith.constant 0 : i32
    %c0_i32_0 = arith.constant 0 : i32
    %c0_i32_1 = arith.constant 0 : i32
    return %c0_i32, %c0_i32_0 : i32, i32
  }
  func.func @transform_3(%arg0: i32) -> i32 {
    %c0_i32 = arith.constant 0 : i32
    %c0_i32_0 = arith.constant 0 : i32
    return %c0_i32 : i32
  }
  func.func @transform_4(%arg0: i32) -> i32 {
    %c0_i32 = arith.constant 0 : i32
    return %arg0 : i32
  }
  func.func @transform_5(%arg0: i32) -> i32 {
    %c0_i32 = arith.constant 0 : i32
    return %arg0 : i32
  }
}

module attributes {stable_mosaic.version = 14 : i64} {
  func.func @_fin_body(%arg0: i32, %arg1: memref<2x10240xf32, #tpu.memory_space<vmem>>, %arg2: memref<2x10240xf32, #tpu.memory_space<vmem>>, %arg3: memref<2x10240xf32, #tpu.memory_space<vmem>>, %arg4: memref<2x10240xf32, #tpu.memory_space<vmem>>, %arg5: memref<10240xf32, #tpu.memory_space<vmem>>) attributes {dimension_semantics = [#tpu.dimension_semantics<arbitrary>], iteration_bounds = array<i64: 10>, scalar_prefetch = 0 : i64, scratch_operands = 0 : i64, tpu.core_type = #tpu.core_type<tc>, window_params = [{transform_indices = @transform_0, window_bounds = array<i64: 2, 10240>}, {transform_indices = @transform_1, window_bounds = array<i64: 2, 10240>}, {transform_indices = @transform_2, window_bounds = array<i64: 2, 10240>}, {transform_indices = @transform_3, window_bounds = array<i64: 2, 10240>}, {transform_indices = @transform_4, window_bounds = array<i64: 10240>}]} {
    %get3A = arith.constant 0 : index
    %get3A_0 = arith.constant 0 : index
    %get3A_1 = vector.load %arg1[%get3A, %get3A_0] : memref<2x10240xf32, #tpu.memory_space<vmem>>, vector<1x10240xf32>
    %get3A_2 = vector.shape_cast %get3A_1 : vector<1x10240xf32> to vector<10240xf32>
    %get3A_3 = arith.constant 1 : index
    %get3A_4 = arith.constant 0 : index
    %get3A_5 = vector.load %arg1[%get3A_3, %get3A_4] : memref<2x10240xf32, #tpu.memory_space<vmem>>, vector<1x10240xf32>
    %get3A_6 = vector.shape_cast %get3A_5 : vector<1x10240xf32> to vector<10240xf32>
    %add3A = arith.addf %get3A_2, %get3A_6 : vector<10240xf32>
    %get3A_7 = arith.constant 0 : index
    %get3A_8 = arith.constant 0 : index
    %get3A_9 = vector.load %arg3[%get3A_7, %get3A_8] : memref<2x10240xf32, #tpu.memory_space<vmem>>, vector<1x10240xf32>
    %get3A_10 = vector.shape_cast %get3A_9 : vector<1x10240xf32> to vector<10240xf32>
    %add3A_11 = arith.addf %add3A, %get3A_10 : vector<10240xf32>
    %get3A_12 = arith.constant 1 : index
    %get3A_13 = arith.constant 0 : index
    %get3A_14 = vector.load %arg3[%get3A_12, %get3A_13] : memref<2x10240xf32, #tpu.memory_space<vmem>>, vector<1x10240xf32>
    %get3A_15 = vector.shape_cast %get3A_14 : vector<1x10240xf32> to vector<10240xf32>
    %add3A_16 = arith.addf %add3A_11, %get3A_15 : vector<10240xf32>
    %get3A_17 = arith.constant 0 : index
    %get3A_18 = arith.constant 0 : index
    %get3A_19 = vector.load %arg2[%get3A_17, %get3A_18] : memref<2x10240xf32, #tpu.memory_space<vmem>>, vector<1x10240xf32>
    %get3A_20 = vector.shape_cast %get3A_19 : vector<1x10240xf32> to vector<10240xf32>
    %get3A_21 = arith.constant 1 : index
    %get3A_22 = arith.constant 0 : index
    %get3A_23 = vector.load %arg2[%get3A_21, %get3A_22] : memref<2x10240xf32, #tpu.memory_space<vmem>>, vector<1x10240xf32>
    %get3A_24 = vector.shape_cast %get3A_23 : vector<1x10240xf32> to vector<10240xf32>
    %add3A_25 = arith.addf %get3A_20, %get3A_24 : vector<10240xf32>
    %get3A_26 = arith.constant 0 : index
    %get3A_27 = arith.constant 0 : index
    %get3A_28 = vector.load %arg4[%get3A_26, %get3A_27] : memref<2x10240xf32, #tpu.memory_space<vmem>>, vector<1x10240xf32>
    %get3A_29 = vector.shape_cast %get3A_28 : vector<1x10240xf32> to vector<10240xf32>
    %add3A_30 = arith.addf %add3A_25, %get3A_29 : vector<10240xf32>
    %get3A_31 = arith.constant 1 : index
    %get3A_32 = arith.constant 0 : index
    %get3A_33 = vector.load %arg4[%get3A_31, %get3A_32] : memref<2x10240xf32, #tpu.memory_space<vmem>>, vector<1x10240xf32>
    %get3A_34 = vector.shape_cast %get3A_33 : vector<1x10240xf32> to vector<10240xf32>
    %add3A_35 = arith.addf %add3A_30, %get3A_34 : vector<10240xf32>
    %max3A = arith.constant 1.000000e+00 : f32
    %max3A_36 = vector.broadcast %max3A : f32 to vector<10240xf32>
    %max3A_37 = arith.maximumf %add3A_35, %max3A_36 : vector<10240xf32>
    %div3A = arith.divf %add3A_16, %max3A_37 : vector<10240xf32>
    %swap3A = arith.constant 0 : index
    %swap3A_38 = vector.load %arg5[%swap3A] : memref<10240xf32, #tpu.memory_space<vmem>>, vector<10240xf32>
    tpu.vector_store %arg5[%swap3A], %div3A {strides = array<i32>} : memref<10240xf32, #tpu.memory_space<vmem>>, vector<10240xf32>,
    return
  }
  func.func @transform_0(%arg0: i32) -> (i32, i32) {
    %c0_i32 = arith.constant 0 : i32
    %c0_i32_0 = arith.constant 0 : i32
    return %c0_i32, %arg0 : i32, i32
  }
  func.func @transform_1(%arg0: i32) -> (i32, i32) {
    %c0_i32 = arith.constant 0 : i32
    %c0_i32_0 = arith.constant 0 : i32
    return %c0_i32, %arg0 : i32, i32
  }
  func.func @transform_2(%arg0: i32) -> (i32, i32) {
    %c0_i32 = arith.constant 0 : i32
    %c0_i32_0 = arith.constant 0 : i32
    return %c0_i32, %arg0 : i32, i32
  }
  func.func @transform_3(%arg0: i32) -> (i32, i32) {
    %c0_i32 = arith.constant 0 : i32
    %c0_i32_0 = arith.constant 0 : i32
    return %c0_i32, %arg0 : i32, i32
  }
  func.func @transform_4(%arg0: i32) -> i32 {
    %c0_i32 = arith.constant 0 : i32
    return %arg0 : i32
  }
}

</mosaic_0001>

<sc_bundles>
// kernel: kernel.10.cloned.1.call-start
scs
__scs_entry_jumppad:
0x0: {  	(pc) =	sbr.rel $0x88, $3  }
0x1: {  	(tag) =	ssettag $0x0;
	lr =	simm.s32 $0x1  }
0x2: {  	[smem:$0x3F9D] =	sst lr;
	_ =	strace $0xD0000000  }
0x3: {  	_ = 	snop  }
0x4: {  	_ = 	snop  }
0x5: {  	_ = 	snop  }
0x6: {  	_ = 	snop  }
0x7: {  	_ = 	snop  }
__scs_overlays_trampoline_lowered:
0x8: {  	[smem:$0x3FAC] =	sst s0  }
0x9: {  	[smem:$0x3FAD] =	sst s1  }
0xa: {  	[smem:$0x3FAE] =	sst s2  }
0xb: {  	[smem:$0x3FAF] =	sst s3  }
0xc: {  	[smem:$0x3FB0] =	sst s4  }
0xd: {  	[smem:$0x3FB1] =	sst s5  }
0xe: {  	[smem:$0x3FB2] =	sst s6  }
0xf: {  	[smem:$0x3FB3] =	sst s7  }
0x10: {  	[smem:$0x3FB4] =	sst s8  }
0x11: {  	[smem:$0x3FB5] =	sst s9;
	s0 =	simm.s32 @!p0 $0x0  }
0x12: {  	s1 =	sld [smem:$0x3F9B];
	s0 =	simm.s32 @p0 $0x1  }
0x13: {  	[smem:$0x3FB6] =	sst s0;
	s0 =	simm.s32 @!p1 $0x0  }
0x14: {  	s2 =	sld [smem:$0x3F9A];
	s0 =	simm.s32 @p1 $0x1  }
0x15: {  	[smem:$0x3FB7] =	sst s0;
	s0 =	simm.s32 @!p2 $0x0  }
0x16: {  	s3 =	sld [smem:$0x3FDB];
	s0 =	simm.s32 @p2 $0x1  }
0x17: {  	s4 =	simm.s32 $0x1BF5;
	[smem:$0x3FB9] =	sst s0  }
0x18: {  	s0 =	sld [smem:$0x3F9C];
	_ =	swait.ge [sflag:s4], $0x0  }
0x19: {  	s7 =	sld [smem:$0x3F9D]  }
0x1a: {  	s8 =	sadd.s32 $0xFFFFE003, lr  }
0x1b: {  	s9 =	sadd.s32 $0xFFFFFEF7, lr;
	s5 =	simm.s32 $0xFFFFFFFF;
	p2 =	slt.u32 s8, $0xFFFFF086  }
0x1c: {  	p1 =	slt.u32 s9, $0xF7A;
	s5 =	simm.s32 @!p2 $0x0  }
0x1d: {  	s5 =	simm.s32 @p1 $0x1;
	p0 =	seq.s32 s7, s2  }
0x1e: {  	s7 =	smul.u32 @!p0 $0xF7A, s2;
	p2 =	seq.s32 @!p0 s5, $0x0  }
0x1f: {  	s9 =	smul.u32 $0xF7A, s1;
	s8 =	simm.s32 @!p0 $0x1BF5;
	p2 =	por !p2, p0  }
0x20: {  	[sflag:s8] =	ssyncset.s32 @!p0 $0xFFFFF086;
	s6 =	sadd.s32 @!p0 s3, s7;
	s7 =	simm.s32 @!p0 $0x108  }
0x21: {  	s3 =	sadd.s32 s3, s9;
	s6 =	sadd.s32 @!p0 $0x88, s6;
	s7 =	simm.s32 @p2 $0x1082  }
0x22: {  	[simem:s7], [sflag:s8] =	dma.local @!p0 [hbm:s6], $0xF7A  }
0x23: {  	s9 =	sor.u32 $0xD0000000, s2;
	s6 =	simm.s32 $0x108;
	_ =	swait.ge @!p0 [sflag:s8], $0x0  }
0x24: {  	s3 =	sadd.s32 $0x88, s3;
	s6 =	simm.s32 @!p1 $0x1082;
	[sflag:s4] =	ssyncset.s32 $0xFFFFF086  }
0x25: {  	[simem:s6], [sflag:s4] =	dma.local [hbm:s3], $0xF7A  }
0x26: {  	[smem:$0x3F9D] =	sst s1;
	(tag) =	ssettag s2;
	_ =	strace s9  }
0x27: {  	s1 =	sld [smem:$0x3FAD]  }
0x28: {  	s2 =	sld [smem:$0x3FAE]  }
0x29: {  	s4 =	sld [smem:$0x3FB0]  }
0x2a: {  	p0 =	seq.s32 s5, $0x0;
	s5 =	sld [smem:$0x3FB1]  }
0x2b: {  	s6 =	sld [smem:$0x3FB2]  }
0x2c: {  	s7 =	sld [smem:$0x3FB3]  }
0x2d: {  	s3 =	simm.s32 $0x108;
	s8 =	sld [smem:$0x3FB4]  }
0x2e: {  	s3 =	simm.s32 @!p0 $0x1082;
	s9 =	sld [smem:$0x3FB5]  }
0x2f: {  	lr =	sadd.s32 s0, s3;
	s0 =	sld [smem:$0x3FAC]  }
0x30: {  	s3 =	sld [smem:$0x3FAF]  }
0x31: {  	[smem:$0x3FB8] =	sst s10  }
0x32: {  	s10 =	sld [smem:$0x3FB6];
	_ =	sdelay $0x3  }
0x33: {  	p0 =	seq.s32 s10, $0x1;
	s10 =	sld [smem:$0x3FB8];
	_ =	sdelay $0x3  }
0x34: {  	[smem:$0x3FB8] =	sst s10  }
0x35: {  	s10 =	sld [smem:$0x3FB7];
	_ =	sdelay $0x3  }
0x36: {  	p1 =	seq.s32 s10, $0x1;
	s10 =	sld [smem:$0x3FB8];
	_ =	sdelay $0x3  }
0x37: {  	[smem:$0x3FB8] =	sst s10  }
0x38: {  	s10 =	sld [smem:$0x3FB9]  }
0x39: {  	_ = 	snop;
	(pc) =	sbr.ind lr, $3  }
0x3a: {  	_ = 	snop  }
0x3b: {  	_ = 	snop  }
0x3c: {  	p2 =	seq.s32 s10, $0x1;
	s10 =	sld [smem:$0x3FB8]  }
0x3d: {  	_ =	shalt  }
0x3e: {  	_ =	shalt  }
0x3f: {  	_ =	shalt  }
0x40: {  	_ =	shalt  }
0x41: {  	_ =	shalt  }
0x42: {  	_ =	shalt  }
0x43: {  	_ =	shalt  }
0x44: {  	_ =	shalt  }
0x45: {  	_ =	shalt  }
0x46: {  	_ =	shalt  }
0x47: {  	_ =	shalt  }
0x48: {  	_ =	shalt  }
0x49: {  	_ =	shalt  }
0x4a: {  	_ =	shalt  }
0x4b: {  	_ =	shalt  }
0x4c: {  	_ =	shalt  }
0x4d: {  	_ =	shalt  }
0x4e: {  	_ =	shalt  }
0x4f: {  	_ =	shalt  }
0x50: {  	_ =	shalt  }
0x51: {  	_ =	shalt  }
0x52: {  	_ =	shalt  }
0x53: {  	_ =	shalt  }
0x54: {  	_ =	shalt  }
0x55: {  	_ =	shalt  }
0x56: {  	_ =	shalt  }
0x57: {  	_ =	shalt  }
0x58: {  	_ =	shalt  }
0x59: {  	_ =	shalt  }
0x5a: {  	_ =	shalt  }
0x5b: {  	_ =	shalt  }
0x5c: {  	_ =	shalt  }
0x5d: {  	_ =	shalt  }
0x5e: {  	_ =	shalt  }
0x5f: {  	_ =	shalt  }
0x60: {  	_ =	shalt  }
0x61: {  	_ =	shalt  }
0x62: {  	_ =	shalt  }
0x63: {  	_ =	shalt  }
0x64: {  	_ =	shalt  }
0x65: {  	_ =	shalt  }
0x66: {  	_ =	shalt  }
0x67: {  	_ =	shalt  }
0x68: {  	_ =	shalt  }
0x69: {  	_ =	shalt  }
0x6a: {  	_ =	shalt  }
0x6b: {  	_ =	shalt  }
0x6c: {  	_ =	shalt  }
0x6d: {  	_ =	shalt  }
0x6e: {  	_ =	shalt  }
0x6f: {  	_ =	shalt  }
0x70: {  	_ =	shalt  }
0x71: {  	_ =	shalt  }
0x72: {  	_ =	shalt  }
0x73: {  	_ =	shalt  }
0x74: {  	_ =	shalt  }
0x75: {  	_ =	shalt  }
0x76: {  	_ =	shalt  }
0x77: {  	_ =	shalt  }
0x78: {  	_ =	shalt  }
0x79: {  	_ =	shalt  }
0x7a: {  	_ =	shalt  }
0x7b: {  	_ =	shalt  }
0x7c: {  	_ =	shalt  }
0x7d: {  	_ =	shalt  }
0x7e: {  	_ =	shalt  }
0x7f: {  	_ =	shalt  }
0x80: {  	_ =	shalt  }
0x81: {  	_ =	shalt  }
0x82: {  	_ =	shalt  }
0x83: {  	_ =	shalt  }
0x84: {  	_ =	shalt  }
0x85: {  	_ =	shalt  }
0x86: {  	_ =	shalt  }
0x87: {  	_ =	shalt  }
.Lfunc_end0:
.L_simem_size_0:
called_computation.2_lowered:
.L_overlay_start_0:
0x88: {  	s2 =	sld [smem:$0x3FD9]  }
0x89: {  	s3 =	sld [smem:$0x3FFE];
	_ =	sdelay $0x1  }
0x8a: {  	s1 =	srdreg.scid  }
0x8b: {  	s0 =	sand.u32 $0x1, s1  }
0x8c: {  	s17 =	sshll.u32 s0, $0xA;
	s2 =	sadd.s32 s3, s2  }
0x8d: {  	s2 =	sadd.s32 s2, s17  }
0x8e: {  	[smem:$0x3FC4] =	sst s2  }
0x8f: {  	_ = 	snop  }
0x90: {  	s2 =	sld [smem:$0x3FD0];
	(tm) =	ssettm $0x1  }
0x91: {  	s18 =	sld [smem:$0x3FFB];
	_ =	sdelay $0x3  }
0x92: {  	_ =	strace s18  }
0x93: {  	s3 =	sld [smem:$0x3FFC];
	_ =	sdelay $0x3  }
0x94: {  	_ =	strace s3  }
0x95: {  	s3 =	sld [smem:$0x3FFD];
	_ =	sdelay $0x3  }
0x96: {  	_ =	strace s3  }
0x97: {  	_ =	strace $0x8FFFFFFF  }
0x98: {  	s19 =	sld [smem:$0x3FDB];
	_ =	sdelay $0x1  }
0x99: {  	s4 =	simm.s32 $_scs_section_size  }
0x9a: {  	s5 =	simm.s32 $_size__tile_overlayer_lowered;
	s6 =	simm.s32 $_tile_overlayer_lowered  }
0x9b: {  	s22 =	simm.s32 $0x1BFF;
	s21 =	sshll.u32 s6, $0x1;
	s3 =	sadd.s32 s4, s19  }
0x9c: {  	s7 =	simm.s32 $0x0;
	s20 =	sshll.u32 s5, $0x1;
	s5 =	sadd.s32 s21, s3  }
0x9d: {  	[timem:s7], [sflag:s22] =	dma.local [hbm:s5], s20  }
0x9e: {  	_ =	swait.ge [sflag:s22], s20  }
0x9f: {  	s4 =	ssub.s32 $0x0, s20;
	[sflag:s22] =	ssyncset.done $0x0  }
0xa0: {  	[sflag:s22] =	ssyncadd.s32 s4;
	_ =	sdelay $0x1  }
0xa1: {  	s23 =	simm.s32 $0x1B8B  }
0xa2: {  	_ =	swait.ge [sflag:s23], $0x1  }
0xa3: {  	[sflag:s23] =	ssyncset.done $0x0  }
0xa4: {  	s25 =	simm.s32 $0x1B8E;
	s24 =	sld [smem:$0x3FFE];
	[sflag:s23] =	ssyncadd.s32 $0xFFFFFFFF  }
0xa5: {  	s26 =	simm.s32 $execute0_lowered;
	[smem:$0x3FD2] =	sst s25  }
0xa6: {  	s5 =	sshll.u32 s26, $0x1;
	_ =	strace $0x80000049;
	[dreg:$0x1] =	wrdreg $0xFFFFFFFF  }
0xa7: {  	s28 =	simm.s32 $_size_execute0_lowered;
	s3 =	sadd.s32 s3, s5;
	[dreg:$0x0] =	wrdreg $0x0  }
0xa8: {  	s5 =	sshll.u32 s28, $0x1;
	[dreg:$0x2] =	wrdreg s3  }
0xa9: {  	[dreg:$0x3] =	wrdreg s5  }
0xaa: {  	[dreg:$0x4] =	wrdreg $0xC0  }
0xab: {  	_ =	task [dreg:s7], $0x5FFFF  }
0xac: {  	[dreg:$0x1] =	wrdreg $0xFFFFFFFF  }
0xad: {  	[dreg:$0x0] =	wrdreg $0x60  }
0xae: {  	[dreg:$0x2] =	wrdreg s24  }
0xaf: {  	[dreg:$0x3] =	wrdreg s2  }
0xb0: {  	[dreg:$0x4] =	wrdreg $0xC5800  }
0xb1: {  	[dreg:$0x5] =	wrdreg $0xDE800  }
0xb2: {  	[dreg:$0x6] =	wrdreg $0xA  }
0xb3: {  	_ =	task.clear_ibuf [dreg:s7], $0x7FFFF;
	_ =	strace $0x90000049  }
0xb4: {  	s29 =	simm.s32 $0xA;
	_ =	strace $0x8000004B  }
0xb5: {  	_ =	swait.ge [sflag:s29], $0x1  }
0xb6: {  	[sflag:s29] =	ssyncadd.s32 $0xFFFFFFFF  }
0xb7: {  	_ =	strace $0x9000004B  }
0xb8: {  	_ =	sfence  }
0xb9: {  	s30 =	sld [smem:$0x0];
	_ =	sdelay $0x2  }
0xba: {  	s31 =	sshll.u32 s1, $0xD;
	s1 =	sshrl.u32 s1, $0x2  }
0xbb: {  	s3 =	sand.u32 $0x4000, s31;
	s1 =	sadd.s32 s1, s30  }
0xbc: {  	s0 =	sor.u32 s3, s0;
	s1 =	sshll.u32 s1, $0x11  }
0xbd: {  	s0 =	sor.u32 s1, s0  }
0xbe: {  	s0 =	sadd.s32 $0x8F2B, s0  }
0xbf: {  	[sflag:s0] =	ssyncadd.remote.s32 $0x1  }
0xc0: {  	_ =	sfence.sel $0xFFFF  }
0xc1: {  	[dreg:$0x0] =	wrdreg $0xFFFFFFFF;
	(pc) =	sbr.abs _section_cstart, $3  }
0xc2: {  	[dreg:$0x1] =	wrdreg $0xFFFFFFFF  }
0xc3: {  	_ =	task.clear_ibuf [dreg:s7], $0x2FFFF;
	_ =	strace $0x9FFFFFFF  }
0xc4: {  	(tm) =	ssettm $0x7FFFFFFF  }
0xc5: {  	_ =	shalt  }
tec
execute0_lowered:
.L_overlay_start_1:
0x0: {  	(tag) =	ssettag $0x1  }
0x1: {  	s0 =	rddreg [dreg:$0x0]  }
0x2: {  	s2 =	rddreg [dreg:$0x2]  }
0x3: {  	s4 =	rddreg [dreg:$0x3]  }
0x4: {  	s5 =	simm.s32 $0x0;
	s1 =	srdreg.scid;
	s12 =	stileid.u32  }
0x5: {  	s28 =	simm.s32 $0x2710;
	s29 =	simm.s32 $0x4F00;
	s30 =	simm.s32 $0x7680  }
0x6: {  	s31 =	simm.s32 $0x5;
	s14 =	simm.s32 $0x0;
	[smem:$0x7FF] =	sst s5  }
0x7: {  	s1 =	sand.u32 $0x1, s1;
	s3 =	smul.u32 $0x3200, s12;
	s6 =	sadd.s32 $0x67EA00, s0  }
0x8: {  	s7 =	sadd.s32 $0x61CE00, s0;
	s11 =	smul.u32 $0x1900, s12;
	s19 =	sshll.u32 s12, $0x6  }
0x9: {  	_ =	strace $0x8000004A;
	s8 =	sshll.u32 s1, $0x7;
	s9 =	sshll.u32 s1, $0x4  }
0xa: {  	s10 =	ssub.s32 $0x2, s1;
	s1 =	smul.u32 $0x186A00, s1;
	s3 =	sor.u32 s8, s3  }
0xb: {  	s8 =	sadd.s32 $0x6E0600, s0;
	s9 =	sor.u32 s12, s9;
	s17 =	sshrl.u32 s10, $0x1  }
0xc: {  	s18 =	sadd.s32 s11, s2;
	s12 =	smul.u32 $0x186A0, s12;
	s11 =	sadd.s32 s11, s4  }
0xd: {  	s3 =	sshrl.u32 s3, $0x3;
	s9 =	smul.u32 $0x186A0, s9;
	[dreg:$0x5] =	wrdreg s18  }
0xe: {  	[dreg:$0x6] =	wrdreg s11;
	s11 =	simm.s32 $0x8;
	s0 =	sadd.s32 s3, s0  }
0xf: {  	s3 =	ssub.s32 s10, s17;
	s10 =	sor.u32 $0x1C09, s19;
	s1 =	sadd.s32 s12, s1  }
0x10: {  	s9 =	sshrl.u32 s9, $0x3;
	s22 =	sadd.s32 $0x6E0A00, s0;
	s0 =	sadd.s32 $0x6E6E00, s0  }
0x11: {  	s24 =	sadd.s32 $0x2710, s1;
	s3 =	smax.u32 s3, $0x1;
	s18 =	sadd.s32 $0x4E20, s1  }
0x12: {  	s1 =	simm.s32 $0x4;
	s20 =	sadd.s32 s6, s9;
	[dreg:$0x9] =	wrdreg s22  }
0x13: {  	s21 =	sadd.s32 s7, s9;
	[dreg:$0xa] =	wrdreg s0;
	s23 =	sadd.s32 $0x2BF2, s9  }
0x14: {  	[dreg:$0xb] =	wrdreg s3;
	s26 =	sshrl.u32 s24, $0x3;
	s22 =	simm.s32 $0x9  }
0x15: {  	s24 =	simm.s32 $0x2780;
	s3 =	simm.s32 $0x3;
	[dreg:$0x7] =	wrdreg s20  }
0x16: {  	s9 =	simm.s32 $0x7;
	[dreg:$0x8] =	wrdreg s21;
	s25 =	sadd.s32 s6, s23  }
0x17: {  	s0 =	sadd.s32 s7, s23;
	s20 =	sadd.s32 s26, s7;
	s21 =	sadd.s32 s26, s6  }
0x18: {  	s23 =	simm.s32 $0x9E00;
	s26 =	simm.s32 $0x2;
	[dreg:$0xc] =	wrdreg s25  }
0x19: {  	[dreg:$0xd] =	wrdreg s0;
	s25 =	simm.s32 $0x1;
	s0 =	simm.s32 $0x6  }
.LBB2_1:
0x1a: {  	s12 =	rddreg [dreg:$0x5]  }
0x1b: {  	s15 =	sshrl.u32 s12, $0x3  }
0x1c: {  	[spmem:s15], [sflag:s10] =	dma.local [hbm:s8], $0x320  }
0x1d: {  	_ =	swait.ge [sflag:s22], $0x320  }
0x1e: {  	[sflag:s22] =	ssyncset.done $0x0;
	s19 =	rddreg [dreg:$0x6]  }
0x1f: {  	[sflag:s22] =	ssyncadd.s32 $0xFFFFFCE0;
	s16 =	sshrl.u32 s19, $0x3  }
0x20: {  	[spmem:s16], [sflag:s10] =	dma.local [hbm:s8], $0x320  }
0x21: {  	_ =	swait.ge [sflag:s22], $0x320  }
0x22: {  	[sflag:s22] =	ssyncset.done $0x0  }
0x23: {  	[sflag:s22] =	ssyncadd.s32 $0xFFFFFCE0  }
0x24: {  	s13 =	rddreg [dreg:$0x1]  }
0x25: {  	[tilespmem:s23], [sflag:$0x9] =	stream.linear.gather [hbm4b:s13+s5], $0x2780, $0x38;
	[tilespmem:$0xF780] =	vst v63  }
0x26: {  	_ =	swait.ge [sflag:s22], $0x2780  }
0x27: {  	[sflag:s22] =	ssyncset.done $0x0  }
0x28: {  	[sflag:s22] =	ssyncadd.s32 $0xFFFFD880  }
0x29: {  	[bflag:$0x0] =	sbarrier.arrive $0xFFFF  }
0x2a: {  	s17 =	rddreg [dreg:$0x7]  }
0x2b: {  	[tilespmem:s5], [sflag:$0x1] =	stream.linear.gather [hbm4b:s17+s5], $0x2710, $0x38;
	[tilespmem:$0xF780] =	vst v63  }
0x2c: {  	s19 =	rddreg [dreg:$0x8]  }
0x2d: {  	[tilespmem:s24], [sflag:$0x2] =	stream.linear.gather [hbm4b:s19+s5], $0x2710, $0x38;
	[tilespmem:$0xF780] =	vst v63  }
0x2e: {  	_ =	swait.ge [sflag:s25], $0x2710  }
0x2f: {  	[sflag:s25] =	ssyncset.done $0x0  }
0x30: {  	[sflag:s25] =	ssyncadd.s32 $0xFFFFD8F0  }
0x31: {  	_ =	swait.ge [sflag:s26], $0x2710  }
0x32: {  	[sflag:s26] =	ssyncset.done $0x0  }
0x33: {  	[sflag:s26] =	ssyncadd.s32 $0xFFFFD8F0  }
0x34: {  	[spmem:s2] =	stream.indirect.scatter.add.f32 [tilespmem:s5], [sflag:$0x5], $0x1, s24, s28, $0xb8;
	[tilespmem:$0xF780] =	vst v63  }
0x35: {  	_ = 	snop  }
0x36: {  	[spmem:s4] =	stream.indirect.scatter.add.f32 [tilespmem:s23], [sflag:$0x6], $0x1, s24, s28, $0xb8;
	[tilespmem:$0xF780] =	vst v63  }
0x37: {  	s17 =	sadd.s32 $0x0, s21  }
0x38: {  	[tilespmem:s29], [sflag:$0x3] =	stream.linear.gather [hbm4b:s17+s5], $0x2710, $0x38;
	[tilespmem:$0xF780] =	vst v63  }
0x39: {  	s12 =	sadd.s32 $0x0, s20  }
0x3a: {  	[tilespmem:s30], [sflag:$0x4] =	stream.linear.gather [hbm4b:s12+s5], $0x2710, $0x38;
	[tilespmem:$0xF780] =	vst v63  }
0x3b: {  	_ =	swait.ge [sflag:s31], $0x2710  }
0x3c: {  	[sflag:s31] =	ssyncset.done $0x0  }
0x3d: {  	[sflag:s31] =	ssyncadd.s32 $0xFFFFD8F0  }
0x3e: {  	_ =	swait.ge [sflag:s0], $0x2710  }
0x3f: {  	[sflag:s0] =	ssyncset.done $0x0  }
0x40: {  	[sflag:s0] =	ssyncadd.s32 $0xFFFFD8F0  }
0x41: {  	_ =	swait.ge [sflag:s3], $0x2710  }
0x42: {  	[sflag:s3] =	ssyncset.done $0x0  }
0x43: {  	[sflag:s3] =	ssyncadd.s32 $0xFFFFD8F0  }
0x44: {  	_ =	swait.ge [sflag:s1], $0x2710  }
0x45: {  	[sflag:s1] =	ssyncset.done $0x0  }
0x46: {  	[sflag:s1] =	ssyncadd.s32 $0xFFFFD8F0  }
0x47: {  	[spmem:s2] =	stream.indirect.scatter.add.f32 [tilespmem:s29], [sflag:$0x7], $0x1, s30, s28, $0xb8;
	[tilespmem:$0xF780] =	vst v63  }
0x48: {  	s13 =	sshrl.u32 s18, $0x3  }
0x49: {  	[spmem:s4] =	stream.indirect.scatter.add.f32 [tilespmem:s23], [sflag:$0x8], $0x1, s30, s28, $0xb8;
	[tilespmem:$0xF780] =	vst v63  }
0x4a: {  	s19 =	sadd.s32 s6, s13  }
0x4b: {  	[tilespmem:s5], [sflag:$0x1] =	stream.linear.gather [hbm4b:s19+s5], $0x2710, $0x38;
	[tilespmem:$0xF780] =	vst v63  }
0x4c: {  	s17 =	sadd.s32 s7, s13  }
0x4d: {  	[tilespmem:s24], [sflag:$0x2] =	stream.linear.gather [hbm4b:s17+s5], $0x2710, $0x38;
	[tilespmem:$0xF780] =	vst v63  }
0x4e: {  	_ =	swait.ge [sflag:s9], $0x2710  }
0x4f: {  	[sflag:s9] =	ssyncset.done $0x0  }
0x50: {  	[sflag:s9] =	ssyncadd.s32 $0xFFFFD8F0  }
0x51: {  	_ =	swait.ge [sflag:s11], $0x2710  }
0x52: {  	s19 =	smov.u32 s18;
	s17 =	simm.s32 $0x9C4;
	[sflag:s11] =	ssyncset.done $0x0  }
.LBB2_2:
0x53: {  	p0 =	sne.s32 s17, $0x1D4C;
	[sflag:s11] =	ssyncadd.s32 $0xFFFFD8F0;
	s19 =	sadd.s32 $0x4E20, s19  }
0x54: {  	s12 =	smov.u32 s17;
	s17 =	sadd.s32 $0x9C4, s17;
	_ =	swait.ge [sflag:s25], $0x2710  }
0x55: {  	[sflag:s25] =	ssyncset.done $0x0  }
0x56: {  	[sflag:s25] =	ssyncadd.s32 $0xFFFFD8F0  }
0x57: {  	_ =	swait.ge [sflag:s26], $0x2710  }
0x58: {  	[sflag:s26] =	ssyncset.done $0x0  }
0x59: {  	[sflag:s26] =	ssyncadd.s32 $0xFFFFD8F0  }
0x5a: {  	[spmem:s2] =	stream.indirect.scatter.add.f32 [tilespmem:s5], [sflag:$0x5], $0x1, s24, s28, $0xb8;
	[tilespmem:$0xF780] =	vst v63  }
0x5b: {  	_ = 	snop  }
0x5c: {  	[spmem:s4] =	stream.indirect.scatter.add.f32 [tilespmem:s23], [sflag:$0x6], $0x1, s24, s28, $0xb8;
	[tilespmem:$0xF780] =	vst v63  }
0x5d: {  	s13 =	sadd.s32 s12, s21  }
0x5e: {  	[tilespmem:s29], [sflag:$0x3] =	stream.linear.gather [hbm4b:s13+s5], $0x2710, $0x38;
	[tilespmem:$0xF780] =	vst v63  }
0x5f: {  	s12 =	sadd.s32 s12, s20  }
0x60: {  	[tilespmem:s30], [sflag:$0x4] =	stream.linear.gather [hbm4b:s12+s5], $0x2710, $0x38;
	[tilespmem:$0xF780] =	vst v63  }
0x61: {  	_ =	swait.ge [sflag:s31], $0x2710  }
0x62: {  	[sflag:s31] =	ssyncset.done $0x0  }
0x63: {  	[sflag:s31] =	ssyncadd.s32 $0xFFFFD8F0  }
0x64: {  	_ =	swait.ge [sflag:s0], $0x2710  }
0x65: {  	[sflag:s0] =	ssyncset.done $0x0  }
0x66: {  	[sflag:s0] =	ssyncadd.s32 $0xFFFFD8F0  }
0x67: {  	_ =	swait.ge [sflag:s3], $0x2710  }
0x68: {  	[sflag:s3] =	ssyncset.done $0x0  }
0x69: {  	[sflag:s3] =	ssyncadd.s32 $0xFFFFD8F0  }
0x6a: {  	_ =	swait.ge [sflag:s1], $0x2710  }
0x6b: {  	[sflag:s1] =	ssyncset.done $0x0  }
0x6c: {  	[sflag:s1] =	ssyncadd.s32 $0xFFFFD8F0  }
0x6d: {  	[spmem:s2] =	stream.indirect.scatter.add.f32 [tilespmem:s29], [sflag:$0x7], $0x1, s30, s28, $0xb8;
	[tilespmem:$0xF780] =	vst v63  }
0x6e: {  	s12 =	sshrl.u32 s19, $0x3  }
0x6f: {  	[spmem:s4] =	stream.indirect.scatter.add.f32 [tilespmem:s23], [sflag:$0x8], $0x1, s30, s28, $0xb8;
	[tilespmem:$0xF780] =	vst v63  }
0x70: {  	s13 =	sadd.s32 s6, s12  }
0x71: {  	[tilespmem:s5], [sflag:$0x1] =	stream.linear.gather [hbm4b:s13+s5], $0x2710, $0x38;
	[tilespmem:$0xF780] =	vst v63  }
0x72: {  	s12 =	sadd.s32 s7, s12  }
0x73: {  	[tilespmem:s24], [sflag:$0x2] =	stream.linear.gather [hbm4b:s12+s5], $0x2710, $0x38;
	[tilespmem:$0xF780] =	vst v63  }
.Ltmp0:
0x74: {  	_ =	swait.ge [sflag:s9], $0x2710;
	(pc) =	sbr.rel @p0 .LBB2_2-.Ltmp0, $4  }
0x75: {  	[sflag:s9] =	ssyncset.done $0x0  }
0x76: {  	[sflag:s9] =	ssyncadd.s32 $0xFFFFD8F0  }
0x77: {  	_ =	swait.ge [sflag:s11], $0x2710  }
0x78: {  	[sflag:s11] =	ssyncset.done $0x0  }
0x79: {  	[sflag:s11] =	ssyncadd.s32 $0xFFFFD8F0  }
0x7a: {  	_ =	swait.ge [sflag:s25], $0x2710  }
0x7b: {  	[sflag:s25] =	ssyncset.done $0x0  }
0x7c: {  	[sflag:s25] =	ssyncadd.s32 $0xFFFFD8F0  }
0x7d: {  	_ =	swait.ge [sflag:s26], $0x2710  }
0x7e: {  	[sflag:s26] =	ssyncset.done $0x0  }
0x7f: {  	[sflag:s26] =	ssyncadd.s32 $0xFFFFD8F0  }
0x80: {  	[spmem:s2] =	stream.indirect.scatter.add.f32 [tilespmem:s5], [sflag:$0x5], $0x1, s24, s28, $0xb8;
	[tilespmem:$0xF780] =	vst v63  }
0x81: {  	_ = 	snop  }
0x82: {  	[spmem:s4] =	stream.indirect.scatter.add.f32 [tilespmem:s23], [sflag:$0x6], $0x1, s24, s28, $0xb8;
	[tilespmem:$0xF780] =	vst v63  }
0x83: {  	s12 =	rddreg [dreg:$0xc]  }
0x84: {  	[tilespmem:s29], [sflag:$0x3] =	stream.linear.gather [hbm4b:s12+s5], $0x2710, $0x38;
	[tilespmem:$0xF780] =	vst v63  }
0x85: {  	s17 =	rddreg [dreg:$0xd]  }
0x86: {  	[tilespmem:s30], [sflag:$0x4] =	stream.linear.gather [hbm4b:s17+s5], $0x2710, $0x38;
	[tilespmem:$0xF780] =	vst v63  }
0x87: {  	_ =	swait.ge [sflag:s31], $0x2710  }
0x88: {  	[sflag:s31] =	ssyncset.done $0x0  }
0x89: {  	[sflag:s31] =	ssyncadd.s32 $0xFFFFD8F0  }
0x8a: {  	_ =	swait.ge [sflag:s0], $0x2710  }
0x8b: {  	[sflag:s0] =	ssyncset.done $0x0  }
0x8c: {  	[sflag:s0] =	ssyncadd.s32 $0xFFFFD8F0  }
0x8d: {  	_ =	swait.ge [sflag:s3], $0x2710  }
0x8e: {  	[sflag:s3] =	ssyncset.done $0x0  }
0x8f: {  	[sflag:s3] =	ssyncadd.s32 $0xFFFFD8F0  }
0x90: {  	_ =	swait.ge [sflag:s1], $0x2710  }
0x91: {  	[sflag:s1] =	ssyncset.done $0x0  }
0x92: {  	[sflag:s1] =	ssyncadd.s32 $0xFFFFD8F0  }
0x93: {  	[spmem:s2] =	stream.indirect.scatter.add.f32 [tilespmem:s29], [sflag:$0x7], $0x1, s30, s28, $0xb8;
	[tilespmem:$0xF780] =	vst v63  }
0x94: {  	_ = 	snop  }
0x95: {  	[spmem:s4] =	stream.indirect.scatter.add.f32 [tilespmem:s23], [sflag:$0x8], $0x1, s30, s28, $0xb8;
	[tilespmem:$0xF780] =	vst v63  }
0x96: {  	_ =	swait.ge [sflag:s9], $0x2710  }
0x97: {  	[sflag:s9] =	ssyncset.done $0x0  }
0x98: {  	[sflag:s9] =	ssyncadd.s32 $0xFFFFD8F0  }
0x99: {  	_ =	swait.ge [sflag:s11], $0x2710  }
0x9a: {  	[sflag:s11] =	ssyncset.done $0x0  }
0x9b: {  	[sflag:s11] =	ssyncadd.s32 $0xFFFFD8F0  }
0x9c: {  	[bflag:$0x0] =	sbarrier.arrive $0xFFFF  }
0x9d: {  	s13 =	simm.s32 $0x20;
	s17 =	simm.s32 $0x10;
	s19 =	rddreg [dreg:$0x9]  }
0x9e: {  	[hbm:s19@s13], [sflag:s10] =	dma.strided [spmem:s15@s17], $0x320, s25, $0x10   }
0x9f: {  	_ =	swait.ge [sflag:s22], $0x320  }
0xa0: {  	[sflag:s22] =	ssyncset.done $0x0  }
0xa1: {  	s15 =	rddreg [dreg:$0xa];
	[sflag:s22] =	ssyncadd.s32 $0xFFFFFCE0  }
0xa2: {  	[hbm:s15@s13], [sflag:s10] =	dma.strided [spmem:s16@s17], $0x320, s25, $0x10   }
0xa3: {  	_ =	swait.ge [sflag:s22], $0x320  }
0xa4: {  	s14 =	sadd.s32 $0x1, s14;
	s19 =	rddreg [dreg:$0xb]  }
0xa5: {  	p0 =	sne.s32 s14, s19  }
.Ltmp1:
0xa6: {  	_ = 	snop;
	(pc) =	sbr.rel @p0 .LBB2_1-.Ltmp1, $3  }
0xa7: {  	_ =	sdelay $0x1  }
0xa8: {  	[sflag:s22] =	ssyncset.done $0x0  }
0xa9: {  	[sflag:s22] =	ssyncadd.s32 $0xFFFFFCE0  }
0xaa: {  	_ =	sfence.sel $0x180000  }
0xab: {  	[bflag:$0x0] =	sbarrier.arrive $0xFFFF  }
0xac: {  	_ =	strace $0x9000004A  }
0xad: {  	s0 =	stileid.u32;
	[bflag:$0x2] =	sbarrier.arrive $0xFFFF  }
0xae: {  	p0 =	sne.s32 s0, $0x0;
	s0 =	rddreg [dreg:$0x4]  }
0xaf: {  	s0 =	sadd.s32 @!p0 $0x100000, s0  }
0xb0: {  	[sflag:s0] =	ssyncadd.tile.s32 @!p0 $0x1;
	_ =	shalt  }
.Lfunc_end2:
_tile_overlayer_lowered:
.L_overlay_start_2:
0xb1: {  	(tag) =	ssettag $0x2  }
0xb2: {  	s0 =	rddreg [dreg:$0x0];
	s2 =	stileid.u32  }
0xb3: {  	s1 =	rddreg [dreg:$0x1];
	p0 =	sne.s32 s2, $0x0  }
0xb4: {  	s3 =	rddreg [dreg:$0x2];
	[bflag:$0x3] =	sbarrier.arrive $0xFFFF;
	s2 =	simm.s32 @!p0 $0x1C09  }
0xb5: {  	[timem:s3], [sflag:s2] =	dma.local @!p0 [hbm:s0], s1  }
0xb6: {  	s0 =	simm.s32 @!p0 $0x9  }
0xb7: {  	_ =	swait.ge @!p0 [sflag:s0], s1  }
0xb8: {  	s1 =	ssub.s32 @!p0 $0x0, s1;
	[sflag:s0] =	ssyncset.done @!p0 $0x0  }
0xb9: {  	[sflag:s0] =	ssyncadd.s32 @!p0 s1  }
0xba: {  	[bflag:$0x3] =	sbarrier.arrive $0xFFFF  }
0xbb: {  	_ =	shalt  }

// kernel: kernel.7.cloned.1.call-start
scs
__scs_entry_jumppad:
0x0: {  	(pc) =	sbr.rel $0x88, $3  }
0x1: {  	(tag) =	ssettag $0x0;
	lr =	simm.s32 $0x1  }
0x2: {  	[smem:$0x3F9D] =	sst lr;
	_ =	strace $0xD0000000  }
0x3: {  	_ = 	snop  }
0x4: {  	_ = 	snop  }
0x5: {  	_ = 	snop  }
0x6: {  	_ = 	snop  }
0x7: {  	_ = 	snop  }
__scs_overlays_trampoline_lowered:
0x8: {  	[smem:$0x3FAC] =	sst s0  }
0x9: {  	[smem:$0x3FAD] =	sst s1  }
0xa: {  	[smem:$0x3FAE] =	sst s2  }
0xb: {  	[smem:$0x3FAF] =	sst s3  }
0xc: {  	[smem:$0x3FB0] =	sst s4  }
0xd: {  	[smem:$0x3FB1] =	sst s5  }
0xe: {  	[smem:$0x3FB2] =	sst s6  }
0xf: {  	[smem:$0x3FB3] =	sst s7  }
0x10: {  	[smem:$0x3FB4] =	sst s8  }
0x11: {  	[smem:$0x3FB5] =	sst s9;
	s0 =	simm.s32 @!p0 $0x0  }
0x12: {  	s1 =	sld [smem:$0x3F9B];
	s0 =	simm.s32 @p0 $0x1  }
0x13: {  	[smem:$0x3FB6] =	sst s0;
	s0 =	simm.s32 @!p1 $0x0  }
0x14: {  	s2 =	sld [smem:$0x3F9A];
	s0 =	simm.s32 @p1 $0x1  }
0x15: {  	[smem:$0x3FB7] =	sst s0;
	s0 =	simm.s32 @!p2 $0x0  }
0x16: {  	s3 =	sld [smem:$0x3FDB];
	s0 =	simm.s32 @p2 $0x1  }
0x17: {  	s4 =	simm.s32 $0x1BF5;
	[smem:$0x3FB9] =	sst s0  }
0x18: {  	s0 =	sld [smem:$0x3F9C];
	_ =	swait.ge [sflag:s4], $0x0  }
0x19: {  	s7 =	sld [smem:$0x3F9D]  }
0x1a: {  	s8 =	sadd.s32 $0xFFFFE003, lr  }
0x1b: {  	s9 =	sadd.s32 $0xFFFFFEF7, lr;
	s5 =	simm.s32 $0xFFFFFFFF;
	p2 =	slt.u32 s8, $0xFFFFF086  }
0x1c: {  	p1 =	slt.u32 s9, $0xF7A;
	s5 =	simm.s32 @!p2 $0x0  }
0x1d: {  	s5 =	simm.s32 @p1 $0x1;
	p0 =	seq.s32 s7, s2  }
0x1e: {  	s7 =	smul.u32 @!p0 $0xF7A, s2;
	p2 =	seq.s32 @!p0 s5, $0x0  }
0x1f: {  	s9 =	smul.u32 $0xF7A, s1;
	s8 =	simm.s32 @!p0 $0x1BF5;
	p2 =	por !p2, p0  }
0x20: {  	[sflag:s8] =	ssyncset.s32 @!p0 $0xFFFFF086;
	s6 =	sadd.s32 @!p0 s3, s7;
	s7 =	simm.s32 @!p0 $0x108  }
0x21: {  	s3 =	sadd.s32 s3, s9;
	s6 =	sadd.s32 @!p0 $0x88, s6;
	s7 =	simm.s32 @p2 $0x1082  }
0x22: {  	[simem:s7], [sflag:s8] =	dma.local @!p0 [hbm:s6], $0xF7A  }
0x23: {  	s9 =	sor.u32 $0xD0000000, s2;
	s6 =	simm.s32 $0x108;
	_ =	swait.ge @!p0 [sflag:s8], $0x0  }
0x24: {  	s3 =	sadd.s32 $0x88, s3;
	s6 =	simm.s32 @!p1 $0x1082;
	[sflag:s4] =	ssyncset.s32 $0xFFFFF086  }
0x25: {  	[simem:s6], [sflag:s4] =	dma.local [hbm:s3], $0xF7A  }
0x26: {  	[smem:$0x3F9D] =	sst s1;
	(tag) =	ssettag s2;
	_ =	strace s9  }
0x27: {  	s1 =	sld [smem:$0x3FAD]  }
0x28: {  	s2 =	sld [smem:$0x3FAE]  }
0x29: {  	s4 =	sld [smem:$0x3FB0]  }
0x2a: {  	p0 =	seq.s32 s5, $0x0;
	s5 =	sld [smem:$0x3FB1]  }
0x2b: {  	s6 =	sld [smem:$0x3FB2]  }
0x2c: {  	s7 =	sld [smem:$0x3FB3]  }
0x2d: {  	s3 =	simm.s32 $0x108;
	s8 =	sld [smem:$0x3FB4]  }
0x2e: {  	s3 =	simm.s32 @!p0 $0x1082;
	s9 =	sld [smem:$0x3FB5]  }
0x2f: {  	lr =	sadd.s32 s0, s3;
	s0 =	sld [smem:$0x3FAC]  }
0x30: {  	s3 =	sld [smem:$0x3FAF]  }
0x31: {  	[smem:$0x3FB8] =	sst s10  }
0x32: {  	s10 =	sld [smem:$0x3FB6];
	_ =	sdelay $0x3  }
0x33: {  	p0 =	seq.s32 s10, $0x1;
	s10 =	sld [smem:$0x3FB8];
	_ =	sdelay $0x3  }
0x34: {  	[smem:$0x3FB8] =	sst s10  }
0x35: {  	s10 =	sld [smem:$0x3FB7];
	_ =	sdelay $0x3  }
0x36: {  	p1 =	seq.s32 s10, $0x1;
	s10 =	sld [smem:$0x3FB8];
	_ =	sdelay $0x3  }
0x37: {  	[smem:$0x3FB8] =	sst s10  }
0x38: {  	s10 =	sld [smem:$0x3FB9]  }
0x39: {  	_ = 	snop;
	(pc) =	sbr.ind lr, $3  }
0x3a: {  	_ = 	snop  }
0x3b: {  	_ = 	snop  }
0x3c: {  	p2 =	seq.s32 s10, $0x1;
	s10 =	sld [smem:$0x3FB8]  }
0x3d: {  	_ =	shalt  }
0x3e: {  	_ =	shalt  }
0x3f: {  	_ =	shalt  }
0x40: {  	_ =	shalt  }
0x41: {  	_ =	shalt  }
0x42: {  	_ =	shalt  }
0x43: {  	_ =	shalt  }
0x44: {  	_ =	shalt  }
0x45: {  	_ =	shalt  }
0x46: {  	_ =	shalt  }
0x47: {  	_ =	shalt  }
0x48: {  	_ =	shalt  }
0x49: {  	_ =	shalt  }
0x4a: {  	_ =	shalt  }
0x4b: {  	_ =	shalt  }
0x4c: {  	_ =	shalt  }
0x4d: {  	_ =	shalt  }
0x4e: {  	_ =	shalt  }
0x4f: {  	_ =	shalt  }
0x50: {  	_ =	shalt  }
0x51: {  	_ =	shalt  }
0x52: {  	_ =	shalt  }
0x53: {  	_ =	shalt  }
0x54: {  	_ =	shalt  }
0x55: {  	_ =	shalt  }
0x56: {  	_ =	shalt  }
0x57: {  	_ =	shalt  }
0x58: {  	_ =	shalt  }
0x59: {  	_ =	shalt  }
0x5a: {  	_ =	shalt  }
0x5b: {  	_ =	shalt  }
0x5c: {  	_ =	shalt  }
0x5d: {  	_ =	shalt  }
0x5e: {  	_ =	shalt  }
0x5f: {  	_ =	shalt  }
0x60: {  	_ =	shalt  }
0x61: {  	_ =	shalt  }
0x62: {  	_ =	shalt  }
0x63: {  	_ =	shalt  }
0x64: {  	_ =	shalt  }
0x65: {  	_ =	shalt  }
0x66: {  	_ =	shalt  }
0x67: {  	_ =	shalt  }
0x68: {  	_ =	shalt  }
0x69: {  	_ =	shalt  }
0x6a: {  	_ =	shalt  }
0x6b: {  	_ =	shalt  }
0x6c: {  	_ =	shalt  }
0x6d: {  	_ =	shalt  }
0x6e: {  	_ =	shalt  }
0x6f: {  	_ =	shalt  }
0x70: {  	_ =	shalt  }
0x71: {  	_ =	shalt  }
0x72: {  	_ =	shalt  }
0x73: {  	_ =	shalt  }
0x74: {  	_ =	shalt  }
0x75: {  	_ =	shalt  }
0x76: {  	_ =	shalt  }
0x77: {  	_ =	shalt  }
0x78: {  	_ =	shalt  }
0x79: {  	_ =	shalt  }
0x7a: {  	_ =	shalt  }
0x7b: {  	_ =	shalt  }
0x7c: {  	_ =	shalt  }
0x7d: {  	_ =	shalt  }
0x7e: {  	_ =	shalt  }
0x7f: {  	_ =	shalt  }
0x80: {  	_ =	shalt  }
0x81: {  	_ =	shalt  }
0x82: {  	_ =	shalt  }
0x83: {  	_ =	shalt  }
0x84: {  	_ =	shalt  }
0x85: {  	_ =	shalt  }
0x86: {  	_ =	shalt  }
0x87: {  	_ =	shalt  }
.Lfunc_end0:
.L_simem_size_0:
called_computation.1_lowered:
.L_overlay_start_0:
0x88: {  	s2 =	sld [smem:$0x3FD9]  }
0x89: {  	s3 =	sld [smem:$0x3FFE];
	_ =	sdelay $0x1  }
0x8a: {  	s1 =	srdreg.scid  }
0x8b: {  	s0 =	sand.u32 $0x1, s1  }
0x8c: {  	s17 =	sshll.u32 s0, $0xA;
	s2 =	sadd.s32 s3, s2  }
0x8d: {  	s2 =	sadd.s32 s2, s17  }
0x8e: {  	[smem:$0x3FC4] =	sst s2  }
0x8f: {  	_ = 	snop  }
0x90: {  	s18 =	sld [smem:$0x3FD0];
	(tm) =	ssettm $0x1  }
0x91: {  	s19 =	sld [smem:$0x3FFB];
	_ =	sdelay $0x3  }
0x92: {  	_ =	strace s19  }
0x93: {  	s2 =	sld [smem:$0x3FFC];
	_ =	sdelay $0x3  }
0x94: {  	_ =	strace s2  }
0x95: {  	s2 =	sld [smem:$0x3FFD];
	_ =	sdelay $0x3  }
0x96: {  	_ =	strace s2  }
0x97: {  	_ =	strace $0x8FFFFFFF  }
0x98: {  	s20 =	sld [smem:$0x3FDB];
	_ =	sdelay $0x1  }
0x99: {  	s4 =	simm.s32 $_scs_section_size  }
0x9a: {  	s5 =	simm.s32 $_size__tile_overlayer_lowered;
	s6 =	simm.s32 $_tile_overlayer_lowered  }
0x9b: {  	s7 =	simm.s32 $0x1BFF;
	s21 =	sshll.u32 s6, $0x1;
	s4 =	sadd.s32 s4, s20  }
0x9c: {  	s22 =	simm.s32 $0x0;
	s5 =	sshll.u32 s5, $0x1;
	s6 =	sadd.s32 s21, s4  }
0x9d: {  	[timem:s22], [sflag:s7] =	dma.local [hbm:s6], s5  }
0x9e: {  	_ =	swait.ge [sflag:s7], s5  }
0x9f: {  	s5 =	ssub.s32 $0x0, s5;
	[sflag:s7] =	ssyncset.done $0x0  }
0xa0: {  	[sflag:s7] =	ssyncadd.s32 s5;
	_ =	sdelay $0x1  }
0xa1: {  	s23 =	simm.s32 $0x1B8B  }
0xa2: {  	_ =	swait.ge [sflag:s23], $0x1  }
0xa3: {  	[sflag:s23] =	ssyncset.done $0x0  }
0xa4: {  	[sflag:s23] =	ssyncadd.s32 $0xFFFFFFFF  }
0xa5: {  	s5 =	sld [smem:$0x0]  }
0xa6: {  	s6 =	sand.u32 $0xFFFFFFFE, s1  }
0xa7: {  	p0 =	sne.s32 s1, s6  }
0xa8: {  	s6 =	sshll.u32 @p0 s6, $0xE  }
0xa9: {  	s6 =	sadd.s32 @p0 $0x11B8D, s6;
	s7 =	sshll.u32 @p0 s5, $0x11  }
0xaa: {  	s6 =	sor.u32 @p0 s7, s6  }
0xab: {  	[sflag:s6] =	ssyncadd.remote.s32 @p0 $0x1;
	_ =	sdelay $0x1  }
0xac: {  	s6 =	simm.s32 @p0 $0x1B8D  }
0xad: {  	_ =	swait.eq @p0 [sflag:s6], $0x1  }
0xae: {  	[sflag:s6] =	ssyncadd.s32 @p0 $0xFFFFFFFF  }
0xaf: {  	s7 =	sshll.u32 @!p0 s1, $0xE  }
0xb0: {  	s7 =	sor.u32 @!p0 $0x4000, s7;
	s6 =	simm.s32 @!p0 $0x1B8D  }
0xb1: {  	s5 =	sshll.u32 @!p0 s5, $0x11;
	s7 =	sadd.s32 @!p0 $0x11B8D, s7;
	_ =	swait.eq @!p0 [sflag:s6], $0x1  }
0xb2: {  	s5 =	sor.u32 @!p0 s5, s7;
	[sflag:s6] =	ssyncadd.s32 @!p0 $0xFFFFFFFF  }
0xb3: {  	s25 =	simm.s32 $0x1B8E;
	s24 =	sld [smem:$0x3FFE];
	[sflag:s5] =	ssyncadd.remote.s32 @!p0 $0x1  }
0xb4: {  	s26 =	simm.s32 $execute0_lowered;
	[smem:$0x3FD2] =	sst s25  }
0xb5: {  	s6 =	sshll.u32 s26, $0x1;
	_ =	strace $0x8000004C;
	[dreg:$0x1] =	wrdreg $0xFFFFFFFF  }
0xb6: {  	s28 =	simm.s32 $_size_execute0_lowered;
	s4 =	sadd.s32 s4, s6;
	[dreg:$0x0] =	wrdreg $0x0  }
0xb7: {  	s6 =	sshll.u32 s28, $0x1;
	[dreg:$0x2] =	wrdreg s4  }
0xb8: {  	[dreg:$0x3] =	wrdreg s6  }
0xb9: {  	[dreg:$0x4] =	wrdreg $0xC0  }
0xba: {  	_ =	task [dreg:s22], $0x5FFFF  }
0xbb: {  	[dreg:$0x1] =	wrdreg $0xFFFFFFFF  }
0xbc: {  	[dreg:$0x0] =	wrdreg $0x60  }
0xbd: {  	[dreg:$0x2] =	wrdreg s24  }
0xbe: {  	[dreg:$0x3] =	wrdreg s18  }
0xbf: {  	[dreg:$0x4] =	wrdreg $0xC5800  }
0xc0: {  	[dreg:$0x5] =	wrdreg $0xDE800  }
0xc1: {  	[dreg:$0x6] =	wrdreg $0x9  }
0xc2: {  	_ =	task.clear_ibuf [dreg:s22], $0x7FFFF;
	_ =	strace $0x9000004C  }
0xc3: {  	s29 =	simm.s32 $0x9;
	_ =	strace $0x8000004E  }
0xc4: {  	_ =	swait.ge [sflag:s29], $0x1  }
0xc5: {  	[sflag:s29] =	ssyncadd.s32 $0xFFFFFFFF  }
0xc6: {  	_ =	strace $0x9000004E  }
0xc7: {  	_ =	sfence  }
0xc8: {  	s30 =	sld [smem:$0x0];
	_ =	sdelay $0x2  }
0xc9: {  	s31 =	sshll.u32 s1, $0xD;
	s1 =	sshrl.u32 s1, $0x2  }
0xca: {  	s4 =	sand.u32 $0x4000, s31;
	s1 =	sadd.s32 s1, s30  }
0xcb: {  	s0 =	sor.u32 s4, s0;
	s1 =	sshll.u32 s1, $0x11  }
0xcc: {  	s0 =	sor.u32 s1, s0  }
0xcd: {  	s0 =	sadd.s32 $0x8F2B, s0  }
0xce: {  	[sflag:s0] =	ssyncadd.remote.s32 $0x1  }
0xcf: {  	_ =	sfence.sel $0xFFFF  }
0xd0: {  	[dreg:$0x0] =	wrdreg $0xFFFFFFFF;
	(pc) =	sbr.abs _section_cstart, $3  }
0xd1: {  	[dreg:$0x1] =	wrdreg $0xFFFFFFFF  }
0xd2: {  	_ =	task.clear_ibuf [dreg:s22], $0x2FFFF;
	_ =	strace $0x9FFFFFFF  }
0xd3: {  	(tm) =	ssettm $0x7FFFFFFF  }
tec
execute0_lowered:
.L_overlay_start_1:
0x0: {  	(tag) =	ssettag $0x1  }
0x1: {  	s0 =	rddreg [dreg:$0x0]  }
0x2: {  	s2 =	rddreg [dreg:$0x2]  }
0x3: {  	s4 =	rddreg [dreg:$0x3]  }
0x4: {  	s5 =	simm.s32 $0x0;
	s1 =	srdreg.scid;
	s12 =	stileid.u32  }
0x5: {  	s28 =	simm.s32 $0x2710;
	s29 =	simm.s32 $0x4F00;
	s30 =	simm.s32 $0x7680  }
0x6: {  	s31 =	simm.s32 $0x5;
	s14 =	simm.s32 $0x0;
	[smem:$0x7FF] =	sst s5  }
0x7: {  	s1 =	sand.u32 $0x1, s1;
	s3 =	smul.u32 $0x3200, s12;
	s6 =	sadd.s32 $0x2600, s0  }
0x8: {  	s7 =	sadd.s32 $0x6ED200, s0;
	s11 =	smul.u32 $0x1900, s12;
	s19 =	sshll.u32 s12, $0x6  }
0x9: {  	_ =	strace $0x8000004D;
	s8 =	sshll.u32 s1, $0x7;
	s9 =	sshll.u32 s1, $0x4  }
0xa: {  	s10 =	ssub.s32 $0x2, s1;
	s1 =	smul.u32 $0x186A00, s1;
	s3 =	sor.u32 s8, s3  }
0xb: {  	s8 =	sadd.s32 $0x6E0600, s0;
	s9 =	sor.u32 s12, s9;
	s17 =	sshrl.u32 s10, $0x1  }
0xc: {  	s18 =	sadd.s32 s11, s2;
	s12 =	smul.u32 $0x186A0, s12;
	s11 =	sadd.s32 s11, s4  }
0xd: {  	s3 =	sshrl.u32 s3, $0x3;
	s9 =	smul.u32 $0x186A0, s9;
	[dreg:$0x5] =	wrdreg s18  }
0xe: {  	[dreg:$0x6] =	wrdreg s11;
	s11 =	simm.s32 $0x8;
	s0 =	sadd.s32 s3, s0  }
0xf: {  	s3 =	ssub.s32 s10, s17;
	s10 =	sor.u32 $0x1C09, s19;
	s1 =	sadd.s32 s12, s1  }
0x10: {  	s9 =	sshrl.u32 s9, $0x3;
	s22 =	sadd.s32 $0x64200, s0;
	s0 =	sadd.s32 $0x6A600, s0  }
0x11: {  	s24 =	sadd.s32 $0x2710, s1;
	s3 =	smax.u32 s3, $0x1;
	s18 =	sadd.s32 $0x4E20, s1  }
0x12: {  	s1 =	simm.s32 $0x4;
	s20 =	sadd.s32 s6, s9;
	[dreg:$0x9] =	wrdreg s22  }
0x13: {  	s21 =	sadd.s32 s7, s9;
	[dreg:$0xa] =	wrdreg s0;
	s23 =	sadd.s32 $0x2BF2, s9  }
0x14: {  	[dreg:$0xb] =	wrdreg s3;
	s26 =	sshrl.u32 s24, $0x3;
	s22 =	simm.s32 $0x9  }
0x15: {  	s24 =	simm.s32 $0x2780;
	s3 =	simm.s32 $0x3;
	[dreg:$0x7] =	wrdreg s20  }
0x16: {  	s9 =	simm.s32 $0x7;
	[dreg:$0x8] =	wrdreg s21;
	s25 =	sadd.s32 s6, s23  }
0x17: {  	s0 =	sadd.s32 s7, s23;
	s20 =	sadd.s32 s26, s7;
	s21 =	sadd.s32 s26, s6  }
0x18: {  	s23 =	simm.s32 $0x9E00;
	s26 =	simm.s32 $0x2;
	[dreg:$0xc] =	wrdreg s25  }
0x19: {  	[dreg:$0xd] =	wrdreg s0;
	s25 =	simm.s32 $0x1;
	s0 =	simm.s32 $0x6  }
.LBB2_1:
0x1a: {  	s12 =	rddreg [dreg:$0x5]  }
0x1b: {  	s15 =	sshrl.u32 s12, $0x3  }
0x1c: {  	[spmem:s15], [sflag:s10] =	dma.local [hbm:s8], $0x320  }
0x1d: {  	_ =	swait.ge [sflag:s22], $0x320  }
0x1e: {  	[sflag:s22] =	ssyncset.done $0x0;
	s19 =	rddreg [dreg:$0x6]  }
0x1f: {  	[sflag:s22] =	ssyncadd.s32 $0xFFFFFCE0;
	s16 =	sshrl.u32 s19, $0x3  }
0x20: {  	[spmem:s16], [sflag:s10] =	dma.local [hbm:s8], $0x320  }
0x21: {  	_ =	swait.ge [sflag:s22], $0x320  }
0x22: {  	[sflag:s22] =	ssyncset.done $0x0  }
0x23: {  	[sflag:s22] =	ssyncadd.s32 $0xFFFFFCE0  }
0x24: {  	s13 =	rddreg [dreg:$0x1]  }
0x25: {  	[tilespmem:s23], [sflag:$0x9] =	stream.linear.gather [hbm4b:s13+s5], $0x2780, $0x38;
	[tilespmem:$0xF780] =	vst v63  }
0x26: {  	_ =	swait.ge [sflag:s22], $0x2780  }
0x27: {  	[sflag:s22] =	ssyncset.done $0x0  }
0x28: {  	[sflag:s22] =	ssyncadd.s32 $0xFFFFD880  }
0x29: {  	[bflag:$0x0] =	sbarrier.arrive $0xFFFF  }
0x2a: {  	s17 =	rddreg [dreg:$0x7]  }
0x2b: {  	[tilespmem:s5], [sflag:$0x1] =	stream.linear.gather [hbm4b:s17+s5], $0x2710, $0x38;
	[tilespmem:$0xF780] =	vst v63  }
0x2c: {  	s19 =	rddreg [dreg:$0x8]  }
0x2d: {  	[tilespmem:s24], [sflag:$0x2] =	stream.linear.gather [hbm4b:s19+s5], $0x2710, $0x38;
	[tilespmem:$0xF780] =	vst v63  }
0x2e: {  	_ =	swait.ge [sflag:s25], $0x2710  }
0x2f: {  	[sflag:s25] =	ssyncset.done $0x0  }
0x30: {  	[sflag:s25] =	ssyncadd.s32 $0xFFFFD8F0  }
0x31: {  	_ =	swait.ge [sflag:s26], $0x2710  }
0x32: {  	[sflag:s26] =	ssyncset.done $0x0  }
0x33: {  	[sflag:s26] =	ssyncadd.s32 $0xFFFFD8F0  }
0x34: {  	[spmem:s2] =	stream.indirect.scatter.add.f32 [tilespmem:s5], [sflag:$0x5], $0x1, s24, s28, $0xb8;
	[tilespmem:$0xF780] =	vst v63  }
0x35: {  	_ = 	snop  }
0x36: {  	[spmem:s4] =	stream.indirect.scatter.add.f32 [tilespmem:s23], [sflag:$0x6], $0x1, s24, s28, $0xb8;
	[tilespmem:$0xF780] =	vst v63  }
0x37: {  	s17 =	sadd.s32 $0x0, s21  }
0x38: {  	[tilespmem:s29], [sflag:$0x3] =	stream.linear.gather [hbm4b:s17+s5], $0x2710, $0x38;
	[tilespmem:$0xF780] =	vst v63  }
0x39: {  	s12 =	sadd.s32 $0x0, s20  }
0x3a: {  	[tilespmem:s30], [sflag:$0x4] =	stream.linear.gather [hbm4b:s12+s5], $0x2710, $0x38;
	[tilespmem:$0xF780] =	vst v63  }
0x3b: {  	_ =	swait.ge [sflag:s31], $0x2710  }
0x3c: {  	[sflag:s31] =	ssyncset.done $0x0  }
0x3d: {  	[sflag:s31] =	ssyncadd.s32 $0xFFFFD8F0  }
0x3e: {  	_ =	swait.ge [sflag:s0], $0x2710  }
0x3f: {  	[sflag:s0] =	ssyncset.done $0x0  }
0x40: {  	[sflag:s0] =	ssyncadd.s32 $0xFFFFD8F0  }
0x41: {  	_ =	swait.ge [sflag:s3], $0x2710  }
0x42: {  	[sflag:s3] =	ssyncset.done $0x0  }
0x43: {  	[sflag:s3] =	ssyncadd.s32 $0xFFFFD8F0  }
0x44: {  	_ =	swait.ge [sflag:s1], $0x2710  }
0x45: {  	[sflag:s1] =	ssyncset.done $0x0  }
0x46: {  	[sflag:s1] =	ssyncadd.s32 $0xFFFFD8F0  }
0x47: {  	[spmem:s2] =	stream.indirect.scatter.add.f32 [tilespmem:s29], [sflag:$0x7], $0x1, s30, s28, $0xb8;
	[tilespmem:$0xF780] =	vst v63  }
0x48: {  	s13 =	sshrl.u32 s18, $0x3  }
0x49: {  	[spmem:s4] =	stream.indirect.scatter.add.f32 [tilespmem:s23], [sflag:$0x8], $0x1, s30, s28, $0xb8;
	[tilespmem:$0xF780] =	vst v63  }
0x4a: {  	s19 =	sadd.s32 s6, s13  }
0x4b: {  	[tilespmem:s5], [sflag:$0x1] =	stream.linear.gather [hbm4b:s19+s5], $0x2710, $0x38;
	[tilespmem:$0xF780] =	vst v63  }
0x4c: {  	s17 =	sadd.s32 s7, s13  }
0x4d: {  	[tilespmem:s24], [sflag:$0x2] =	stream.linear.gather [hbm4b:s17+s5], $0x2710, $0x38;
	[tilespmem:$0xF780] =	vst v63  }
0x4e: {  	_ =	swait.ge [sflag:s9], $0x2710  }
0x4f: {  	[sflag:s9] =	ssyncset.done $0x0  }
0x50: {  	[sflag:s9] =	ssyncadd.s32 $0xFFFFD8F0  }
0x51: {  	_ =	swait.ge [sflag:s11], $0x2710  }
0x52: {  	s19 =	smov.u32 s18;
	s17 =	simm.s32 $0x9C4;
	[sflag:s11] =	ssyncset.done $0x0  }
.LBB2_2:
0x53: {  	p0 =	sne.s32 s17, $0x1D4C;
	[sflag:s11] =	ssyncadd.s32 $0xFFFFD8F0;
	s19 =	sadd.s32 $0x4E20, s19  }
0x54: {  	s12 =	smov.u32 s17;
	s17 =	sadd.s32 $0x9C4, s17;
	_ =	swait.ge [sflag:s25], $0x2710  }
0x55: {  	[sflag:s25] =	ssyncset.done $0x0  }
0x56: {  	[sflag:s25] =	ssyncadd.s32 $0xFFFFD8F0  }
0x57: {  	_ =	swait.ge [sflag:s26], $0x2710  }
0x58: {  	[sflag:s26] =	ssyncset.done $0x0  }
0x59: {  	[sflag:s26] =	ssyncadd.s32 $0xFFFFD8F0  }
0x5a: {  	[spmem:s2] =	stream.indirect.scatter.add.f32 [tilespmem:s5], [sflag:$0x5], $0x1, s24, s28, $0xb8;
	[tilespmem:$0xF780] =	vst v63  }
0x5b: {  	_ = 	snop  }
0x5c: {  	[spmem:s4] =	stream.indirect.scatter.add.f32 [tilespmem:s23], [sflag:$0x6], $0x1, s24, s28, $0xb8;
	[tilespmem:$0xF780] =	vst v63  }
0x5d: {  	s13 =	sadd.s32 s12, s21  }
0x5e: {  	[tilespmem:s29], [sflag:$0x3] =	stream.linear.gather [hbm4b:s13+s5], $0x2710, $0x38;
	[tilespmem:$0xF780] =	vst v63  }
0x5f: {  	s12 =	sadd.s32 s12, s20  }
0x60: {  	[tilespmem:s30], [sflag:$0x4] =	stream.linear.gather [hbm4b:s12+s5], $0x2710, $0x38;
	[tilespmem:$0xF780] =	vst v63  }
0x61: {  	_ =	swait.ge [sflag:s31], $0x2710  }
0x62: {  	[sflag:s31] =	ssyncset.done $0x0  }
0x63: {  	[sflag:s31] =	ssyncadd.s32 $0xFFFFD8F0  }
0x64: {  	_ =	swait.ge [sflag:s0], $0x2710  }
0x65: {  	[sflag:s0] =	ssyncset.done $0x0  }
0x66: {  	[sflag:s0] =	ssyncadd.s32 $0xFFFFD8F0  }
0x67: {  	_ =	swait.ge [sflag:s3], $0x2710  }
0x68: {  	[sflag:s3] =	ssyncset.done $0x0  }
0x69: {  	[sflag:s3] =	ssyncadd.s32 $0xFFFFD8F0  }
0x6a: {  	_ =	swait.ge [sflag:s1], $0x2710  }
0x6b: {  	[sflag:s1] =	ssyncset.done $0x0  }
0x6c: {  	[sflag:s1] =	ssyncadd.s32 $0xFFFFD8F0  }
0x6d: {  	[spmem:s2] =	stream.indirect.scatter.add.f32 [tilespmem:s29], [sflag:$0x7], $0x1, s30, s28, $0xb8;
	[tilespmem:$0xF780] =	vst v63  }
0x6e: {  	s12 =	sshrl.u32 s19, $0x3  }
0x6f: {  	[spmem:s4] =	stream.indirect.scatter.add.f32 [tilespmem:s23], [sflag:$0x8], $0x1, s30, s28, $0xb8;
	[tilespmem:$0xF780] =	vst v63  }
0x70: {  	s13 =	sadd.s32 s6, s12  }
0x71: {  	[tilespmem:s5], [sflag:$0x1] =	stream.linear.gather [hbm4b:s13+s5], $0x2710, $0x38;
	[tilespmem:$0xF780] =	vst v63  }
0x72: {  	s12 =	sadd.s32 s7, s12  }
0x73: {  	[tilespmem:s24], [sflag:$0x2] =	stream.linear.gather [hbm4b:s12+s5], $0x2710, $0x38;
	[tilespmem:$0xF780] =	vst v63  }
.Ltmp0:
0x74: {  	_ =	swait.ge [sflag:s9], $0x2710;
	(pc) =	sbr.rel @p0 .LBB2_2-.Ltmp0, $4  }
0x75: {  	[sflag:s9] =	ssyncset.done $0x0  }
0x76: {  	[sflag:s9] =	ssyncadd.s32 $0xFFFFD8F0  }
0x77: {  	_ =	swait.ge [sflag:s11], $0x2710  }
0x78: {  	[sflag:s11] =	ssyncset.done $0x0  }
0x79: {  	[sflag:s11] =	ssyncadd.s32 $0xFFFFD8F0  }
0x7a: {  	_ =	swait.ge [sflag:s25], $0x2710  }
0x7b: {  	[sflag:s25] =	ssyncset.done $0x0  }
0x7c: {  	[sflag:s25] =	ssyncadd.s32 $0xFFFFD8F0  }
0x7d: {  	_ =	swait.ge [sflag:s26], $0x2710  }
0x7e: {  	[sflag:s26] =	ssyncset.done $0x0  }
0x7f: {  	[sflag:s26] =	ssyncadd.s32 $0xFFFFD8F0  }
0x80: {  	[spmem:s2] =	stream.indirect.scatter.add.f32 [tilespmem:s5], [sflag:$0x5], $0x1, s24, s28, $0xb8;
	[tilespmem:$0xF780] =	vst v63  }
0x81: {  	_ = 	snop  }
0x82: {  	[spmem:s4] =	stream.indirect.scatter.add.f32 [tilespmem:s23], [sflag:$0x6], $0x1, s24, s28, $0xb8;
	[tilespmem:$0xF780] =	vst v63  }
0x83: {  	s12 =	rddreg [dreg:$0xc]  }
0x84: {  	[tilespmem:s29], [sflag:$0x3] =	stream.linear.gather [hbm4b:s12+s5], $0x2710, $0x38;
	[tilespmem:$0xF780] =	vst v63  }
0x85: {  	s17 =	rddreg [dreg:$0xd]  }
0x86: {  	[tilespmem:s30], [sflag:$0x4] =	stream.linear.gather [hbm4b:s17+s5], $0x2710, $0x38;
	[tilespmem:$0xF780] =	vst v63  }
0x87: {  	_ =	swait.ge [sflag:s31], $0x2710  }
0x88: {  	[sflag:s31] =	ssyncset.done $0x0  }
0x89: {  	[sflag:s31] =	ssyncadd.s32 $0xFFFFD8F0  }
0x8a: {  	_ =	swait.ge [sflag:s0], $0x2710  }
0x8b: {  	[sflag:s0] =	ssyncset.done $0x0  }
0x8c: {  	[sflag:s0] =	ssyncadd.s32 $0xFFFFD8F0  }
0x8d: {  	_ =	swait.ge [sflag:s3], $0x2710  }
0x8e: {  	[sflag:s3] =	ssyncset.done $0x0  }
0x8f: {  	[sflag:s3] =	ssyncadd.s32 $0xFFFFD8F0  }
0x90: {  	_ =	swait.ge [sflag:s1], $0x2710  }
0x91: {  	[sflag:s1] =	ssyncset.done $0x0  }
0x92: {  	[sflag:s1] =	ssyncadd.s32 $0xFFFFD8F0  }
0x93: {  	[spmem:s2] =	stream.indirect.scatter.add.f32 [tilespmem:s29], [sflag:$0x7], $0x1, s30, s28, $0xb8;
	[tilespmem:$0xF780] =	vst v63  }
0x94: {  	_ = 	snop  }
0x95: {  	[spmem:s4] =	stream.indirect.scatter.add.f32 [tilespmem:s23], [sflag:$0x8], $0x1, s30, s28, $0xb8;
	[tilespmem:$0xF780] =	vst v63  }
0x96: {  	_ =	swait.ge [sflag:s9], $0x2710  }
0x97: {  	[sflag:s9] =	ssyncset.done $0x0  }
0x98: {  	[sflag:s9] =	ssyncadd.s32 $0xFFFFD8F0  }
0x99: {  	_ =	swait.ge [sflag:s11], $0x2710  }
0x9a: {  	[sflag:s11] =	ssyncset.done $0x0  }
0x9b: {  	[sflag:s11] =	ssyncadd.s32 $0xFFFFD8F0  }
0x9c: {  	[bflag:$0x0] =	sbarrier.arrive $0xFFFF  }
0x9d: {  	s13 =	simm.s32 $0x20;
	s17 =	simm.s32 $0x10;
	s19 =	rddreg [dreg:$0x9]  }
0x9e: {  	[hbm:s19@s13], [sflag:s10] =	dma.strided [spmem:s15@s17], $0x320, s25, $0x10   }
0x9f: {  	_ =	swait.ge [sflag:s22], $0x320  }
0xa0: {  	[sflag:s22] =	ssyncset.done $0x0  }
0xa1: {  	s15 =	rddreg [dreg:$0xa];
	[sflag:s22] =	ssyncadd.s32 $0xFFFFFCE0  }
0xa2: {  	[hbm:s15@s13], [sflag:s10] =	dma.strided [spmem:s16@s17], $0x320, s25, $0x10   }
0xa3: {  	_ =	swait.ge [sflag:s22], $0x320  }
0xa4: {  	s14 =	sadd.s32 $0x1, s14;
	s19 =	rddreg [dreg:$0xb]  }
0xa5: {  	p0 =	sne.s32 s14, s19  }
.Ltmp1:
0xa6: {  	_ = 	snop;
	(pc) =	sbr.rel @p0 .LBB2_1-.Ltmp1, $3  }
0xa7: {  	_ =	sdelay $0x1  }
0xa8: {  	[sflag:s22] =	ssyncset.done $0x0  }
0xa9: {  	[sflag:s22] =	ssyncadd.s32 $0xFFFFFCE0  }
0xaa: {  	_ =	sfence.sel $0x180000  }
0xab: {  	[bflag:$0x0] =	sbarrier.arrive $0xFFFF  }
0xac: {  	_ =	strace $0x9000004D  }
0xad: {  	s0 =	stileid.u32;
	[bflag:$0x2] =	sbarrier.arrive $0xFFFF  }
0xae: {  	p0 =	sne.s32 s0, $0x0;
	s0 =	rddreg [dreg:$0x4]  }
0xaf: {  	s0 =	sadd.s32 @!p0 $0x100000, s0  }
0xb0: {  	[sflag:s0] =	ssyncadd.tile.s32 @!p0 $0x1;
	_ =	shalt  }
.Lfunc_end2:
_tile_overlayer_lowered:
.L_overlay_start_2:
0xb1: {  	(tag) =	ssettag $0x2  }
0xb2: {  	s0 =	rddreg [dreg:$0x0];
	s2 =	stileid.u32  }
0xb3: {  	s1 =	rddreg [dreg:$0x1];
	p0 =	sne.s32 s2, $0x0  }
0xb4: {  	s3 =	rddreg [dreg:$0x2];
	[bflag:$0x3] =	sbarrier.arrive $0xFFFF;
	s2 =	simm.s32 @!p0 $0x1C09  }
0xb5: {  	[timem:s3], [sflag:s2] =	dma.local @!p0 [hbm:s0], s1  }
0xb6: {  	s0 =	simm.s32 @!p0 $0x9  }
0xb7: {  	_ =	swait.ge @!p0 [sflag:s0], s1  }
0xb8: {  	s1 =	ssub.s32 @!p0 $0x0, s1;
	[sflag:s0] =	ssyncset.done @!p0 $0x0  }
0xb9: {  	[sflag:s0] =	ssyncadd.s32 @!p0 s1  }
0xba: {  	[bflag:$0x3] =	sbarrier.arrive $0xFFFF  }
0xbb: {  	_ =	shalt  }

// kernel: sparse-core-data-format-call.cloned.1.call-start
scs
called_computation_lowered:
.L_overlay_start_0:
0x0: {  	s2 =	sld [smem:$0x3FD9]  }
0x1: {  	s3 =	sld [smem:$0x3FFE];
	_ =	sdelay $0x1  }
0x2: {  	s1 =	srdreg.scid  }
0x3: {  	s0 =	sand.u32 $0x1, s1  }
0x4: {  	s18 =	sshll.u32 s0, $0xA;
	s2 =	sadd.s32 s3, s2  }
0x5: {  	s2 =	sadd.s32 s2, s18  }
0x6: {  	[smem:$0x3FC4] =	sst s2  }
0x7: {  	_ = 	snop  }
0x8: {  	s2 =	sld [smem:$0x3FC8];
	(tm) =	ssettm $0x1  }
0x9: {  	s19 =	sld [smem:$0x3FFB];
	_ =	sdelay $0x3  }
0xa: {  	_ =	strace s19  }
0xb: {  	s3 =	sld [smem:$0x3FFC];
	_ =	sdelay $0x3  }
0xc: {  	_ =	strace s3  }
0xd: {  	s3 =	sld [smem:$0x3FFD];
	_ =	sdelay $0x3  }
0xe: {  	_ =	strace s3  }
0xf: {  	_ =	strace $0x8FFFFFFF  }
0x10: {  	s20 =	sld [smem:$0x3FDB];
	_ =	sdelay $0x1  }
0x11: {  	s4 =	simm.s32 $_scs_section_size  }
0x12: {  	s5 =	simm.s32 $_size__tile_overlayer_lowered;
	s6 =	simm.s32 $_tile_overlayer_lowered  }
0x13: {  	s23 =	simm.s32 $0x1BFF;
	s22 =	sshll.u32 s6, $0x1;
	s3 =	sadd.s32 s4, s20  }
0x14: {  	s7 =	simm.s32 $0x0;
	s21 =	sshll.u32 s5, $0x1;
	s5 =	sadd.s32 s22, s3  }
0x15: {  	[timem:s7], [sflag:s23] =	dma.local [hbm:s5], s21  }
0x16: {  	_ =	swait.ge [sflag:s23], s21  }
0x17: {  	s4 =	ssub.s32 $0x0, s21;
	[sflag:s23] =	ssyncset.done $0x0  }
0x18: {  	[sflag:s23] =	ssyncadd.s32 s4;
	_ =	sdelay $0x1  }
0x19: {  	s24 =	simm.s32 $0x1B8B  }
0x1a: {  	_ =	swait.ge [sflag:s24], $0x1  }
0x1b: {  	[sflag:s24] =	ssyncset.done $0x0  }
0x1c: {  	s26 =	simm.s32 $0x1B8E;
	s25 =	sld [smem:$0x3FFE];
	[sflag:s24] =	ssyncadd.s32 $0xFFFFFFFF  }
0x1d: {  	s27 =	simm.s32 $execute0_lowered;
	[smem:$0x3FD2] =	sst s26  }
0x1e: {  	s5 =	sshll.u32 s27, $0x1;
	_ =	strace $0x80000046;
	[dreg:$0x1] =	wrdreg $0xFFFFFFFF  }
0x1f: {  	s28 =	simm.s32 $_size_execute0_lowered;
	s3 =	sadd.s32 s3, s5;
	[dreg:$0x0] =	wrdreg $0x0  }
0x20: {  	s5 =	sshll.u32 s28, $0x1;
	[dreg:$0x2] =	wrdreg s3  }
0x21: {  	[dreg:$0x3] =	wrdreg s5  }
0x22: {  	[dreg:$0x4] =	wrdreg $0xC0  }
0x23: {  	_ =	task [dreg:s7], $0x5FFFF  }
0x24: {  	[dreg:$0x1] =	wrdreg $0xFFFFFFFF  }
0x25: {  	[dreg:$0x0] =	wrdreg $0x60  }
0x26: {  	[dreg:$0x2] =	wrdreg s2  }
0x27: {  	[dreg:$0x3] =	wrdreg s25  }
0x28: {  	[dreg:$0x4] =	wrdreg $0x9  }
0x29: {  	_ =	task.clear_ibuf [dreg:s7], $0x5FFFF;
	_ =	strace $0x90000046  }
0x2a: {  	s29 =	simm.s32 $0x9;
	_ =	strace $0x80000048  }
0x2b: {  	_ =	swait.ge [sflag:s29], $0x1  }
0x2c: {  	[sflag:s29] =	ssyncadd.s32 $0xFFFFFFFF  }
0x2d: {  	_ =	strace $0x90000048  }
0x2e: {  	_ =	sfence  }
0x2f: {  	s30 =	sld [smem:$0x0];
	_ =	sdelay $0x2  }
0x30: {  	s31 =	sshll.u32 s1, $0xD;
	s1 =	sshrl.u32 s1, $0x2  }
0x31: {  	s3 =	sand.u32 $0x4000, s31;
	s1 =	sadd.s32 s1, s30  }
0x32: {  	s0 =	sor.u32 s3, s0;
	s1 =	sshll.u32 s1, $0x11  }
0x33: {  	s0 =	sor.u32 s1, s0  }
0x34: {  	s0 =	sadd.s32 $0x8F2B, s0  }
0x35: {  	[sflag:s0] =	ssyncadd.remote.s32 $0x1  }
0x36: {  	_ =	sfence.sel $0xFFFF  }
0x37: {  	[dreg:$0x0] =	wrdreg $0xFFFFFFFF;
	(pc) =	sbr.abs _section_cstart, $3  }
0x38: {  	[dreg:$0x1] =	wrdreg $0xFFFFFFFF  }
0x39: {  	_ =	task.clear_ibuf [dreg:s7], $0x2FFFF;
	_ =	strace $0x9FFFFFFF  }
0x3a: {  	(tm) =	ssettm $0x7FFFFFFF  }
0x3b: {  	_ =	shalt  }
tec
execute0_lowered:
.L_overlay_start_1:
0x0: {  	(tag) =	ssettag $0x1  }
0x1: {  	s0 =	srdreg.scid  }
0x2: {  	s2 =	rddreg [dreg:$0x0];
	s1 =	sshll.u32 s0, $0x4  }
0x3: {  	s5 =	rddreg [dreg:$0x1];
	s0 =	stileid.u32;
	s1 =	sand.u32 $0x10, s1  }
0x4: {  	s4 =	simm.s32 $0x1;
	s8 =	simm.s32 $0x2;
	s1 =	sor.u32 s0, s1  }
0x5: {  	s11 =	simm.s32 $0x0;
	s12 =	simm.s32 $0x0;
	s3 =	sshll.u32 s1, $0xB  }
0x6: {  	s9 =	simm.s32 $0x0;
	s10 =	simm.s32 $0x0;
	s6 =	ssub.s32 $0x61A800, s3  }
.Ltmp0:
0x7: {  	s1 =	rddreg [dreg:$0x2];
	s7 =	sand.u32 $0xF800, s6;
	(pc) =	sbr.rel .LBB1_1-.Ltmp0, $4  }
0x8: {  	_ =	strace $0x80000047;
	p0 =	sne.s32 s7, $0x0;
	s7 =	simm.s32 $0x1  }
0x9: {  	[sflag:s4] =	ssyncpa.u1 $0x0;
	s6 =	sshrl.u32 s6, $0x10;
	s7 =	simm.s32 @!p0 $0x0  }
0xa: {  	s5 =	sadd.s32 $0x2600, s5;
	[sflag:s8] =	ssyncpa.u1 $0x0;
	s6 =	sadd.s32 s7, s6  }
0xb: {  	s8 =	smov.u32 s3;
	p0 =	por $0x0, $0x0;
	s7 =	sadd.s32 $0x1, s6  }
.LBB1_7:
0xc: {  	s13 =	sadd.s32 $0x10000, s8  }
0xd: {  	s11 =	sadd.s32 $0x8, s9;
	s15 =	smov.u32 s9;
	p2 =	sgt.s32 s13, $0x61A7FF  }
0xe: {  	s15 =	smov.u32 @p2 s11  }
0xf: {  	s13 =	smov.u32 @p2 s3;
	p2 =	sgt.s32 s15, $0x5  }
0x10: {  	s15 =	simm.s32 @p2 $0x0;
	p2 =	sne.s32 s10, s7  }
.Ltmp1:
0x11: {  	p1 =	slt.u32 s10, $0x2;
	(pc) =	sbr.rel @!p2 .LBB1_8-.Ltmp1, $4  }
0x12: {  	s14 =	simm.s32 @!p1 $0x2  }
0x13: {  	s12 =	smov.u32 s9;
	p0 =	por !p0, !p0;
	_ =	swait.ge @!p1 [sflag:s14], $0x4000  }
0x14: {  	s11 =	smov.u32 s8;
	[sflag:s14] =	ssyncset.done @!p1 $0x0;
	s8 =	smov.u32 s13  }
0x15: {  	s10 =	sadd.s32 $0x1, s10;
	[sflag:s14] =	ssyncadd.s32 @!p1 $0xFFFFC000;
	s9 =	smov.u32 s15  }
.LBB1_1:
0x16: {  	p1 =	sge.u32 s10, s6  }
0x17: {  	p2 =	sgt.s32 @!p1 s9, $0xFFFFFFFE  }
0x18: {  	s13 =	smov.u32 s9;
	s15 =	smov.u32 s8;
	p2 =	por !p2, p1  }
0x19: {  	s14 =	sshra.s32 @!p1 s9, $0x1F;
	s13 =	simm.s32 @p2 $0xFFFFFFFE;
	p2 =	sgt.s32 @!p1 s8, $0x61A000  }
0x1a: {  	s16 =	sshra.s32 @!p1 s8, $0x1F;
	s14 =	sand.u32 @!p1 s14, s9;
	p2 =	por !p2, p1  }
0x1b: {  	s13 =	ssub.s32 @!p1 s13, s14;
	s14 =	sand.u32 @!p1 s16, s8;
	s15 =	simm.s32 @p2 $0x61A000  }
0x1c: {  	s16 =	sshrl.u32 @!p1 s8, $0xB;
	s17 =	sadd.s32 @!p1 $0x2, s13;
	s14 =	ssub.s32 @!p1 s15, s14  }
0x1d: {  	s15 =	smulhi.u32 @!p1 $0x14F8B6, s16;
	p2 =	sgt.s32 @!p1 s17, $0x7;
	s16 =	sadd.s32 @!p1 $0xFF9E6000, s14  }
0x1e: {  	s13 =	ssub.s32 @!p1 $0x6, s13;
	p2 =	por !p2, p1;
	p3 =	sgt.s32 @!p1 s16, $0x7FF  }
0x1f: {  	s14 =	ssub.s32 @!p1 $0x61A800, s14;
	s13 =	simm.s32 @!p2 $0x0;
	p2 =	por !p3, p1  }
0x20: {  	s15 =	smul.u32 @!p1 $0x61A800, s15;
	s14 =	simm.s32 @!p2 $0x0  }
0x21: {  	s31 =	sadd.s32 $0xFFFFFFFF, s10;
	s16 =	sxor.u32 @!p1 $0xFFFFFFFF, s10;
	s13 =	smul.u32 @!p1 s13, s14  }
0x22: {  	s15 =	ssub.s32 @!p1 s8, s15;
	s14 =	sshll.u32 @!p1 s16, $0xE;
	s16 =	smul.u32 @!p1 $0xC3500, s9  }
0x23: {  	s17 =	sand.u32 @!p1 $0x7, s15;
	s15 =	sshrl.u32 @!p1 s15, $0x3;
	s14 =	sand.u32 @!p1 $0x4000, s14  }
0x24: {  	s17 =	sshll.u32 @!p1 s17, $0x12;
	s13 =	sand.u32 @!p1 $0x3FFFFFFF, s13;
	s16 =	sadd.s32 @!p1 s2, s16  }
0x25: {  	s15 =	sadd.s32 @!p1 s15, s16;
	s16 =	sor.u32 @!p1 $0x800, s17;
	s17 =	simm.s32 @!p1 $0x61A800  }
0x26: {  	[tilespmem:s14], [sflag:$0x1] =	stream.strided.gather @!p1 [hbm4b:s15+s16], s13, s17, s16, $0x38;
	[tilespmem:$0x10000] =	vst v63  }
0x27: {  	p1 =	sge.u32 s31, s6  }
.Ltmp2:
0x28: {  	_ = 	snop;
	(pc) =	sbr.rel @p1 .LBB1_7-.Ltmp2, $1  }
0x29: {  	_ =	sdelay $0x3  }
0x2a: {  	p1 =	sgt.s32 s12, $0xFFFFFFFE  }
0x2b: {  	s13 =	smov.u32 s12;
	s14 =	sshra.s32 s12, $0x1F;
	s15 =	smov.u32 s11  }
0x2c: {  	s16 =	sshra.s32 s11, $0x1F;
	s13 =	simm.s32 @!p1 $0xFFFFFFFE;
	p1 =	sgt.s32 s11, $0x61A000  }
0x2d: {  	s14 =	sand.u32 s14, s12;
	s29 =	sand.u32 s16, s11;
	s15 =	simm.s32 @!p1 $0x61A000  }
0x2e: {  	s13 =	ssub.s32 s13, s14;
	s14 =	ssub.s32 s15, s29  }
0x2f: {  	s30 =	sadd.s32 $0x2, s13;
	s13 =	ssub.s32 $0x6, s13;
	s15 =	sadd.s32 $0xFF9E6000, s14  }
0x30: {  	p1 =	sgt.s32 s30, $0x7;
	s14 =	ssub.s32 $0x61A800, s14;
	p2 =	sgt.s32 s15, $0x7FF  }
0x31: {  	s13 =	simm.s32 @p1 $0x0;
	s14 =	simm.s32 @p2 $0x0  }
0x32: {  	s15 =	simm.s32 $0x1;
	s13 =	smul.u32 s13, s14  }
0x33: {  	s15 =	simm.s32 @!p0 $0x0  }
0x34: {  	s31 =	sshll.u32 s10, $0xE;
	s15 =	sshll.u32 s15, $0xE;
	s13 =	sand.u32 $0x3FFFFFFF, s13  }
0x35: {  	s16 =	sand.u32 $0x4000, s31;
	s14 =	sor.u32 $0x100, s15;
	_ =	swait.ge [sflag:s4], s13  }
0x36: {  	s15 =	sor.u32 $0x8800, s15;
	s13 =	ssub.s32 $0x0, s13;
	[sflag:s4] =	ssyncset.done $0x0  }
0x37: {  	[sflag:s4] =	ssyncadd.s32 s13;
	s13 =	sor.u32 $0x8000, s16;
	s16 =	simm.s32 $0x0  }
.LBB1_3:
0x38: {  	v0 =	vld [tilespmem:s14+$0xF0]  }
0x39: {  	v1 =	vld [tilespmem:s14+$0xFFFFFF10]  }
0x3a: {  	v2 =	vld [tilespmem:s14+$0xFFFFFF20]  }
0x3b: {  	v3 =	vld [tilespmem:s14+$0xFFFFFF30]  }
0x3c: {  	v4 =	vld [tilespmem:s14+$0xFFFFFF40]  }
0x3d: {  	v5 =	vld [tilespmem:s14+$0xFFFFFF50];
	[tilespmem:s15+$0x470] =	vst v0  }
0x3e: {  	[tilespmem:s15+$0xFFFFF810] =	vst v1;
	v0 =	vld [tilespmem:s14+$0xFFFFFF60]  }
0x3f: {  	[tilespmem:s15+$0xFFFFF820] =	vst v2;
	v1 =	vld [tilespmem:s14+$0xFFFFFF70]  }
0x40: {  	[tilespmem:s15+$0xFFFFF830] =	vst v3;
	v2 =	vld [tilespmem:s14+$0xFFFFFF80]  }
0x41: {  	[tilespmem:s15+$0xFFFFF840] =	vst v4;
	v3 =	vld [tilespmem:s14+$0xFFFFFF90]  }
0x42: {  	[tilespmem:s15+$0xFFFFF850] =	vst v5;
	v4 =	vld [tilespmem:s14+$0xFFFFFFA0]  }
0x43: {  	v5 =	vld [tilespmem:s14+$0xA0];
	[tilespmem:s15+$0xFFFFF860] =	vst v0  }
0x44: {  	v0 =	vld [tilespmem:s14+$0xFFFFFFB0];
	[tilespmem:s15+$0xFFFFF870] =	vst v1  }
0x45: {  	v1 =	vld [tilespmem:s14+$0xFFFFFFC0];
	[tilespmem:s15+$0xFFFFFC00] =	vst v2  }
0x46: {  	[tilespmem:s15+$0xFFFFFC10] =	vst v3;
	v3 =	vld [tilespmem:s14+$0xFFFFFFE0]  }
0x47: {  	[tilespmem:s15+$0xFFFFFC20] =	vst v4;
	v4 =	vld [tilespmem:s14+$0xFFFFFFF0]  }
0x48: {  	v2 =	vld [tilespmem:s14+$0xFFFFFFD0];
	[tilespmem:s15+$0x420] =	vst v5  }
0x49: {  	[tilespmem:s15+$0xFFFFFC30] =	vst v0;
	v0 =	vld [tilespmem:s14+$0x0]  }
0x4a: {  	[tilespmem:s15+$0xFFFFFC40] =	vst v1;
	v1 =	vld [tilespmem:s14+$0x10]  }
0x4b: {  	[tilespmem:s15+$0xFFFFFC60] =	vst v3;
	v3 =	vld [tilespmem:s14+$0x30]  }
0x4c: {  	[tilespmem:s15+$0xFFFFFC70] =	vst v4;
	v4 =	vld [tilespmem:s14+$0x40]  }
0x4d: {  	[tilespmem:s15+$0xFFFFFC50] =	vst v2;
	v2 =	vld [tilespmem:s14+$0x20]  }
0x4e: {  	[tilespmem:s15+$0x0] =	vst v0;
	v0 =	vld [tilespmem:s14+$0x50]  }
0x4f: {  	[tilespmem:s15+$0x10] =	vst v1;
	v1 =	vld [tilespmem:s14+$0x60]  }
0x50: {  	[tilespmem:s15+$0x30] =	vst v3;
	v3 =	vld [tilespmem:s14+$0x80]  }
0x51: {  	[tilespmem:s15+$0x40] =	vst v4;
	v4 =	vld [tilespmem:s14+$0x90]  }
0x52: {  	[tilespmem:s15+$0x20] =	vst v2;
	v2 =	vld [tilespmem:s14+$0x70]  }
0x53: {  	[tilespmem:s15+$0x50] =	vst v0;
	v0 =	vld [tilespmem:s14+$0xB0]  }
0x54: {  	[tilespmem:s15+$0x60] =	vst v1;
	v1 =	vld [tilespmem:s14+$0xC0]  }
0x55: {  	[tilespmem:s15+$0x400] =	vst v3;
	v3 =	vld [tilespmem:s14+$0xD0]  }
0x56: {  	[tilespmem:s15+$0x410] =	vst v4;
	v4 =	vld [tilespmem:s14+$0xE0]  }
0x57: {  	s18 =	simm.s32 $0x0;
	s19 =	sadd.s32 $0x200, s14;
	s17 =	smov.u32 s15;
	[tilespmem:s15+$0x70] =	vst v2;
	v2 =	vld [tilespmem:s14+$0xFFFFFF00]  }
.LBB1_4:
0x58: {  	v5 =	vld [tilespmem:s19+$0xF0];
	s18 =	sadd.s32 $0x200, s18;
	[tilespmem:s17+$0x430] =	vst v0  }
0x59: {  	v0 =	vld [tilespmem:s19+$0xFFFFFF10];
	p1 =	slt.u32 s18, $0x600;
	[tilespmem:s17+$0x440] =	vst v1  }
0x5a: {  	v1 =	vld [tilespmem:s19+$0xFFFFFF20];
	[tilespmem:s17+$0x450] =	vst v3  }
0x5b: {  	v3 =	vld [tilespmem:s19+$0xFFFFFF30];
	[tilespmem:s17+$0x460] =	vst v4  }
0x5c: {  	v4 =	vld [tilespmem:s19+$0xFFFFFF40];
	[tilespmem:s17+$0xFFFFF800] =	vst v2;
	s17 =	sadd.s32 $0x1000, s17  }
0x5d: {  	v2 =	vld [tilespmem:s19+$0xFFFFFF50];
	[tilespmem:s17+$0x470] =	vst v5  }
0x5e: {  	[tilespmem:s17+$0xFFFFF810] =	vst v0;
	v0 =	vld [tilespmem:s19+$0xFFFFFF60]  }
0x5f: {  	[tilespmem:s17+$0xFFFFF820] =	vst v1;
	v1 =	vld [tilespmem:s19+$0xFFFFFF70]  }
0x60: {  	[tilespmem:s17+$0xFFFFF830] =	vst v3;
	v3 =	vld [tilespmem:s19+$0xFFFFFF80]  }
0x61: {  	[tilespmem:s17+$0xFFFFF840] =	vst v4;
	v4 =	vld [tilespmem:s19+$0xFFFFFF90]  }
0x62: {  	[tilespmem:s17+$0xFFFFF850] =	vst v2;
	v2 =	vld [tilespmem:s19+$0xFFFFFFA0]  }
0x63: {  	[tilespmem:s17+$0xFFFFF860] =	vst v0;
	v0 =	vld [tilespmem:s19+$0xFFFFFFB0]  }
0x64: {  	[tilespmem:s17+$0xFFFFF870] =	vst v1;
	v1 =	vld [tilespmem:s19+$0xFFFFFFC0]  }
0x65: {  	[tilespmem:s17+$0xFFFFFC00] =	vst v3;
	v3 =	vld [tilespmem:s19+$0xFFFFFFD0]  }
0x66: {  	[tilespmem:s17+$0xFFFFFC10] =	vst v4;
	v4 =	vld [tilespmem:s19+$0xFFFFFFE0]  }
0x67: {  	[tilespmem:s17+$0xFFFFFC20] =	vst v2;
	v2 =	vld [tilespmem:s19+$0xFFFFFFF0]  }
0x68: {  	[tilespmem:s17+$0xFFFFFC30] =	vst v0;
	v0 =	vld [tilespmem:s19+$0x0]  }
0x69: {  	[tilespmem:s17+$0xFFFFFC40] =	vst v1;
	v1 =	vld [tilespmem:s19+$0x10]  }
0x6a: {  	[tilespmem:s17+$0xFFFFFC50] =	vst v3;
	v3 =	vld [tilespmem:s19+$0x20]  }
0x6b: {  	[tilespmem:s17+$0xFFFFFC60] =	vst v4;
	v4 =	vld [tilespmem:s19+$0x30]  }
0x6c: {  	[tilespmem:s17+$0xFFFFFC70] =	vst v2;
	v2 =	vld [tilespmem:s19+$0x40]  }
0x6d: {  	[tilespmem:s17+$0x0] =	vst v0;
	v0 =	vld [tilespmem:s19+$0x50]  }
0x6e: {  	[tilespmem:s17+$0x10] =	vst v1;
	v1 =	vld [tilespmem:s19+$0x60]  }
0x6f: {  	[tilespmem:s17+$0x20] =	vst v3;
	v3 =	vld [tilespmem:s19+$0x70]  }
0x70: {  	[tilespmem:s17+$0x30] =	vst v4;
	v4 =	vld [tilespmem:s19+$0x80]  }
0x71: {  	[tilespmem:s17+$0x40] =	vst v2;
	v2 =	vld [tilespmem:s19+$0x90]  }
0x72: {  	[tilespmem:s17+$0x50] =	vst v0;
	v5 =	vld [tilespmem:s19+$0xA0]  }
.Ltmp3:
0x73: {  	[tilespmem:s17+$0x60] =	vst v1;
	v0 =	vld [tilespmem:s19+$0xB0];
	(pc) =	sbr.rel @p1 .LBB1_4-.Ltmp3, $4  }
0x74: {  	[tilespmem:s17+$0x70] =	vst v3;
	v1 =	vld [tilespmem:s19+$0xC0]  }
0x75: {  	[tilespmem:s17+$0x400] =	vst v4;
	v3 =	vld [tilespmem:s19+$0xD0]  }
0x76: {  	[tilespmem:s17+$0x410] =	vst v2;
	v4 =	vld [tilespmem:s19+$0xE0]  }
0x77: {  	v2 =	vld [tilespmem:s19+$0xFFFFFF00];
	[tilespmem:s17+$0x420] =	vst v5;
	s19 =	sadd.s32 $0x200, s19  }
0x78: {  	s16 =	sadd.s32 $0x1, s16  }
0x79: {  	p1 =	sne.s32 s16, $0x8  }
.Ltmp4:
0x7a: {  	[tilespmem:s17+$0x430] =	vst v0;
	(pc) =	sbr.rel @p1 .LBB1_3-.Ltmp4, $4  }
0x7b: {  	[tilespmem:s17+$0x440] =	vst v1  }
0x7c: {  	[tilespmem:s17+$0x450] =	vst v3  }
0x7d: {  	[tilespmem:s17+$0x460] =	vst v4  }
0x7e: {  	s14 =	sadd.s32 $0x800, s14;
	s15 =	sadd.s32 $0x80, s15;
	[tilespmem:s17+$0xFFFFF800] =	vst v2  }
0x7f: {  	s14 =	sshrl.u32 s12, $0x3  }
0x80: {  	s15 =	sshll.u32 s11, $0x3;
	s14 =	smul.u32 $0x30D4000, s14  }
0x81: {  	s15 =	sand.u32 $0xFFFFFC00, s15  }
0x82: {  	s14 =	sadd.s32 s14, s15  }
0x83: {  	s15 =	sshrl.u32 s14, $0xB  }
0x84: {  	s27 =	sshll.u32 s12, $0x7;
	s15 =	smulhi.u32 $0x14F8B6, s15  }
0x85: {  	s28 =	sand.u32 $0x7F, s11;
	s12 =	sand.u32 $0x380, s27  }
0x86: {  	s11 =	sor.u32 s28, s12;
	s29 =	smul.u32 $0x61A800, s15  }
0x87: {  	s11 =	sor.u32 s14, s11  }
.Ltmp5:
0x88: {  	s30 =	sand.u32 $0x7, s15;
	s11 =	ssub.s32 s11, s29;
	(pc) =	sbr.rel .LBB1_7-.Ltmp5, $4  }
0x89: {  	s12 =	smul.u32 $0xC3500, s30;
	s31 =	sshrl.u32 s11, $0x3  }
0x8a: {  	s14 =	sadd.s32 s5, s31  }
0x8b: {  	s11 =	sand.u32 $0x7, s11;
	s12 =	sadd.s32 s12, s14  }
0x8c: {  	[hbm4b:s12+s11] =	stream.linear.scatter [tilespmem:s13], [sflag:$0x2], $0x4000, $0x38;
	[tilespmem:$0x10000] =	vst v63  }
.LBB1_8:
0x8d: {  	_ =	sfence.sel $0x180000  }
0x8e: {  	s2 =	simm.s32 $0x1;
	[bflag:$0x0] =	sbarrier.arrive $0xFFFF  }
0x8f: {  	s31 =	simm.s32 $0x2;
	[sflag:s2] =	ssyncpa.u1 $0x1  }
0x90: {  	[sflag:s31] =	ssyncpa.u1 $0x1  }
0x91: {  	p0 =	sne.s32 s0, $0x0;
	_ =	strace $0x90000047  }
0x92: {  	s0 =	sadd.s32 @!p0 $0x100000, s1;
	[bflag:$0x2] =	sbarrier.arrive $0xFFFF  }
0x93: {  	[sflag:s0] =	ssyncadd.tile.s32 @!p0 $0x1;
	_ =	shalt  }
.Lfunc_end1:
_tile_overlayer_lowered:
.L_overlay_start_2:
0x94: {  	(tag) =	ssettag $0x2  }
0x95: {  	s0 =	rddreg [dreg:$0x0];
	s2 =	stileid.u32  }
0x96: {  	s1 =	rddreg [dreg:$0x1];
	p0 =	sne.s32 s2, $0x0  }
0x97: {  	s3 =	rddreg [dreg:$0x2];
	[bflag:$0x3] =	sbarrier.arrive $0xFFFF;
	s2 =	simm.s32 @!p0 $0x1C01  }
0x98: {  	[timem:s3], [sflag:s2] =	dma.local @!p0 [hbm:s0], s1  }
0x99: {  	s0 =	simm.s32 @!p0 $0x1  }
0x9a: {  	_ =	swait.ge @!p0 [sflag:s0], s1  }
0x9b: {  	s1 =	ssub.s32 @!p0 $0x0, s1;
	[sflag:s0] =	ssyncset.done @!p0 $0x0  }
0x9c: {  	[sflag:s0] =	ssyncadd.s32 @!p0 s1  }
0x9d: {  	[bflag:$0x3] =	sbarrier.arrive $0xFFFF  }
0x9e: {  	_ =	shalt  }

</sc_bundles>
